<compile_context>
chip_gen: v7x
topology: tpu7x:2x2x1
jax: 0.10.2.dev20260603
libtpu: 0.0.44.dev20260713+nightly
codegen_flags: <defaults>
</compile_context>

<pallas_src>
import functools
import math

import jax
import jax.numpy as jnp
from jax import lax
from jax.experimental import pallas as pl
from jax.experimental.pallas import tpu as pltpu
from jax.experimental.pallas import tpu_sc as plsc

_VOCAB = 50257
_MAXLEN = 2048
_D = 1024
_B = 4
_S = 2048

_NC = 2
_NS = 16
_NW = _NC * _NS
_SPW = _S // _NW
_RC = 8
_NH = _SPW // _RC
_SCALE = math.sqrt(_D)
_VECS = _RC * _D // 16


def _emb_body(ids_hbm, tok_hbm, pos_hbm, out_hbm, idx_v, pos_v, tok_v,
              sem_g, sem_p, sem_st):
    w = lax.axis_index("s") * _NC + lax.axis_index("c")
    s0 = w * _SPW
    n_chunks = 2 * _NH

    for b in range(_B):
        pltpu.async_copy(ids_hbm.at[b, pl.ds(s0, _SPW)], idx_v.at[b], sem_g)
    for b in range(_B):
        pltpu.make_async_copy(ids_hbm.at[b, pl.ds(s0, _SPW)], idx_v.at[b],
                              sem_g).wait()

    def row_ds(h):
        return pl.ds(pl.multiple_of(h * _RC, _RC), _RC)

    def start_gathers(k):
        h = lax.shift_right_logical(k, 1)
        j = jnp.bitwise_and(k, 1)
        buf = lax.rem(k, 6)
        for bb in range(2):
            pltpu.async_copy(tok_hbm.at[idx_v.at[2 * j + bb, row_ds(h)]],
                             tok_v.at[buf, bb], sem_g)

    def start_pos(h):
        pltpu.async_copy(pos_hbm.at[pl.ds(s0 + pl.multiple_of(h * _RC, _RC),
                                          _RC)],
                         pos_v.at[lax.rem(h, 3)], sem_p)

    start_pos(jnp.int32(0))
    start_pos(jnp.int32(1))
    for kk in range(3):
        start_gathers(jnp.int32(kk))

    def chunk(k, carry):
        h = lax.shift_right_logical(k, 1)
        j = jnp.bitwise_and(k, 1)
        buf = lax.rem(k, 6)
        pbuf = lax.rem(h, 3)

        @pl.when(k >= 3)
        def _():
            for bb in range(2):
                pltpu.make_async_copy(tok_v.at[buf, bb],
                                      out_hbm.at[0, row_ds(h)],
                                      sem_st).wait()

        @pl.when(k + 3 < n_chunks)
        def _():
            start_gathers(k + 3)

        @pl.when(j == 0)
        def _():
            pltpu.make_async_copy(pos_hbm.at[pl.ds(0, _RC)],
                                  pos_v.at[pbuf], sem_p).wait()

            @pl.when(h + 2 < _NH)
            def _():
                start_pos(h + 2)

        for bb in range(2):
            pltpu.make_async_copy(tok_hbm.at[idx_v.at[2 * j + bb, row_ds(h)]],
                                  tok_v.at[buf, bb], sem_g).wait()

        @plsc.parallel_loop(0, _VECS, unroll=16)
        def _compute(i):
            r = lax.shift_right_logical(i, 6)
            c = pl.multiple_of(lax.shift_left(jnp.bitwise_and(i, 63), 4), 16)
            p = pos_v[pbuf, r, pl.ds(c, 16)]
            for bb in range(2):
                t = tok_v[buf, bb, r, pl.ds(c, 16)]
                tok_v[buf, bb, r, pl.ds(c, 16)] = t * _SCALE + p

        for bb in range(2):
            pltpu.async_copy(tok_v.at[buf, bb],
                             out_hbm.at[2 * j + bb,
                                        pl.ds(s0 + pl.multiple_of(
                                            h * _RC, _RC), _RC)],
                             sem_st)
        return carry

    lax.fori_loop(0, n_chunks, chunk, jnp.int32(0))

    for _ in range(6):
        pltpu.make_async_copy(tok_v.at[0, 0], out_hbm.at[0, pl.ds(0, _RC)],
                              sem_st).wait()


@jax.jit
def _embedding(ids, tok_table, pos_table):
    mesh = plsc.VectorSubcoreMesh(core_axis_name="c", subcore_axis_name="s",
                                  num_cores=_NC, num_subcores=_NS)
    return pl.kernel(
        _emb_body,
        out_type=jax.ShapeDtypeStruct((_B, _S, _D), jnp.float32),
        mesh=mesh,
        scratch_types=[
            pltpu.VMEM((_B, _SPW), jnp.int32),
            pltpu.VMEM((3, _RC, _D), jnp.float32),
            pltpu.VMEM((6, 2, _RC, _D), jnp.float32),
            pltpu.SemaphoreType.DMA,
            pltpu.SemaphoreType.DMA,
            pltpu.SemaphoreType.DMA,
        ],
    )(ids, tok_table, pos_table)


def kernel(token_ids, tok_table, pos_table):
    return _embedding(token_ids.astype(jnp.int32), tok_table, pos_table)

# --- scband reference (transcript-rebuilt; emitter-appended) ---
"""Pipeline reference for scband-gptembedding-79276506349634 (READ-ONLY COPY).

The authoritative reference and input builder live on the scoring server;
editing this copy changes nothing except your own understanding.
"""

import jax, jax.numpy as jnp
import numpy as np
import math

VOCAB = 50257
MAXLEN = 2048
DMODEL = 1024
BATCH = 4
SEQ = 2048


def setup_inputs(seed: int = 0) -> dict:
    key = jax.random.key(seed)
    k1, k2, k3 = jax.random.split(key, 3)
    token_ids = jax.random.randint(k1, (BATCH, SEQ), 0, VOCAB, dtype=jnp.int64 if jax.config.jax_enable_x64 else jnp.int32)
    # Learned parameters sized per init_kwargs
    tok_table = jax.random.normal(k2, (VOCAB, DMODEL), dtype=jnp.float32) * (DMODEL ** -0.5)
    pos_table = jax.random.normal(k3, (MAXLEN, DMODEL), dtype=jnp.float32) * 0.02
    return {"token_ids": token_ids, "tok_table": tok_table, "pos_table": pos_table}


def reference(token_ids, tok_table, pos_table):
    # TokenEmbedding: table gather scaled by sqrt(d_model)
    B, S = token_ids.shape
    tok_embeds = jnp.take(tok_table, token_ids, axis=0) * math.sqrt(DMODEL)
    # LearnedPositionalEmbedding: positions = arange(S) broadcast over batch
    positions = jnp.arange(S)
    pos_embeds = jnp.take(pos_table, positions, axis=0)[None, :, :]
    out = tok_embeds + pos_embeds
    # Dropout layers are identity in eval mode
    return out

if __name__ == "__main__":
    import jax
    _d = setup_inputs()
    print(jax.jit(kernel)(*tuple(_d.values())))

</pallas_src>

<mosaic_0001>
#map = affine_map<(d0, d1) -> (0, 0)>
#map1 = affine_map<(d0, d1) -> (0, 0, 0)>
module attributes {stable_mosaic.version = 14 : i64} {
  func.func @_emb_body(%arg0: i32, %arg1: i32, %arg2: memref<4x2048xi32, #tpu.memory_space<hbm>>, %arg3: memref<50257x1024xf32, #tpu.memory_space<hbm>>, %arg4: memref<2048x1024xf32, #tpu.memory_space<hbm>>, %arg5: memref<4x2048x1024xf32, #tpu.memory_space<hbm>>, %arg6: memref<4x64xi32, #tpu.memory_space<vmem>>, %arg7: memref<3x8x1024xf32, #tpu.memory_space<vmem>>, %arg8: memref<6x2x8x1024xf32, #tpu.memory_space<vmem>>, %arg9: memref<!tpu.dma_semaphore, #tpu.memory_space<semaphore_mem>>, %arg10: memref<!tpu.dma_semaphore, #tpu.memory_space<semaphore_mem>>, %arg11: memref<!tpu.dma_semaphore, #tpu.memory_space<semaphore_mem>>) attributes {dimension_semantics = [#tpu.dimension_semantics<core_parallel>, #tpu.dimension_semantics<subcore_parallel>], iteration_bounds = array<i64: 2, 16>, scalar_prefetch = 0 : i64, scratch_operands = 6 : i64, tpu.core_type = #tpu.core_type<sc_vector_subcore>, window_params = [{transform_indices = #map}, {transform_indices = #map}, {transform_indices = #map}, {transform_indices = #map1}]} {
    %mul3A = arith.constant 2 : i32
    %mul3A_0 = arith.muli %arg1, %mul3A : i32
    %add3A = arith.addi %mul3A_0, %arg0 : i32
    %mul3A_1 = arith.constant 64 : i32
    %mul3A_2 = arith.muli %add3A, %mul3A_1 : i32
    %dma_start3A = arith.constant 0 : i32
    %dma_start3A_3 = arith.constant 0 : i32
    %dma_start3A_4 = arith.constant 0 : i32
    %dma_start3A_5 = tpu.memref_slice %arg6[%dma_start3A_3, %dma_start3A_4] : memref<4x64xi32, #tpu.memory_space<vmem>> -> memref<1x64xi32, #tpu.memory_space<vmem>>
    %dma_start3A_6 = tpu.memref_squeeze %dma_start3A_5 : memref<1x64xi32, #tpu.memory_space<vmem>> -> memref<64xi32, #tpu.memory_space<vmem>>
    %dma_start3A_7 = tpu.memref_slice %arg2[%dma_start3A, %mul3A_2] : memref<4x2048xi32, #tpu.memory_space<hbm>> -> memref<1x64xi32, #tpu.memory_space<hbm>>
    %dma_start3A_8 = tpu.memref_squeeze %dma_start3A_7 : memref<1x64xi32, #tpu.memory_space<hbm>> -> memref<64xi32, #tpu.memory_space<hbm>>
    %dma_start3A_9 = arith.constant 0 : i32
    %dma_start3A_10 = tpu.memref_slice %arg6[%dma_start3A_3, %dma_start3A_9] : memref<4x64xi32, #tpu.memory_space<vmem>> -> memref<1x64xi32, #tpu.memory_space<vmem>>
    %dma_start3A_11 = tpu.memref_squeeze %dma_start3A_10 : memref<1x64xi32, #tpu.memory_space<vmem>> -> memref<64xi32, #tpu.memory_space<vmem>>
    %dma_start3A_12 = tpu.memref_slice %arg2[%dma_start3A, %mul3A_2] : memref<4x2048xi32, #tpu.memory_space<hbm>> -> memref<1x64xi32, #tpu.memory_space<hbm>>
    %dma_start3A_13 = tpu.memref_squeeze %dma_start3A_12 : memref<1x64xi32, #tpu.memory_space<hbm>> -> memref<64xi32, #tpu.memory_space<hbm>>
    tpu.enqueue_dma source(%dma_start3A_13 : memref<64xi32, #tpu.memory_space<hbm>>) target(%dma_start3A_11 : memref<64xi32, #tpu.memory_space<vmem>>) target_semaphore(%arg9 : memref<!tpu.dma_semaphore, #tpu.memory_space<semaphore_mem>>)
    %dma_start3A_14 = arith.constant 1 : i32
    %dma_start3A_15 = arith.constant 1 : i32
    %dma_start3A_16 = arith.constant 0 : i32
    %dma_start3A_17 = tpu.memref_slice %arg6[%dma_start3A_15, %dma_start3A_16] : memref<4x64xi32, #tpu.memory_space<vmem>> -> memref<1x64xi32, #tpu.memory_space<vmem>>
    %dma_start3A_18 = tpu.memref_squeeze %dma_start3A_17 : memref<1x64xi32, #tpu.memory_space<vmem>> -> memref<64xi32, #tpu.memory_space<vmem>>
    %dma_start3A_19 = tpu.memref_slice %arg2[%dma_start3A_14, %mul3A_2] : memref<4x2048xi32, #tpu.memory_space<hbm>> -> memref<1x64xi32, #tpu.memory_space<hbm>>
    %dma_start3A_20 = tpu.memref_squeeze %dma_start3A_19 : memref<1x64xi32, #tpu.memory_space<hbm>> -> memref<64xi32, #tpu.memory_space<hbm>>
    %dma_start3A_21 = arith.constant 0 : i32
    %dma_start3A_22 = tpu.memref_slice %arg6[%dma_start3A_15, %dma_start3A_21] : memref<4x64xi32, #tpu.memory_space<vmem>> -> memref<1x64xi32, #tpu.memory_space<vmem>>
    %dma_start3A_23 = tpu.memref_squeeze %dma_start3A_22 : memref<1x64xi32, #tpu.memory_space<vmem>> -> memref<64xi32, #tpu.memory_space<vmem>>
    %dma_start3A_24 = tpu.memref_slice %arg2[%dma_start3A_14, %mul3A_2] : memref<4x2048xi32, #tpu.memory_space<hbm>> -> memref<1x64xi32, #tpu.memory_space<hbm>>
    %dma_start3A_25 = tpu.memref_squeeze %dma_start3A_24 : memref<1x64xi32, #tpu.memory_space<hbm>> -> memref<64xi32, #tpu.memory_space<hbm>>
    tpu.enqueue_dma source(%dma_start3A_25 : memref<64xi32, #tpu.memory_space<hbm>>) target(%dma_start3A_23 : memref<64xi32, #tpu.memory_space<vmem>>) target_semaphore(%arg9 : memref<!tpu.dma_semaphore, #tpu.memory_space<semaphore_mem>>)
    %dma_start3A_26 = arith.constant 2 : i32
    %dma_start3A_27 = arith.constant 2 : i32
    %dma_start3A_28 = arith.constant 0 : i32
    %dma_start3A_29 = tpu.memref_slice %arg6[%dma_start3A_27, %dma_start3A_28] : memref<4x64xi32, #tpu.memory_space<vmem>> -> memref<1x64xi32, #tpu.memory_space<vmem>>
    %dma_start3A_30 = tpu.memref_squeeze %dma_start3A_29 : memref<1x64xi32, #tpu.memory_space<vmem>> -> memref<64xi32, #tpu.memory_space<vmem>>
    %dma_start3A_31 = tpu.memref_slice %arg2[%dma_start3A_26, %mul3A_2] : memref<4x2048xi32, #tpu.memory_space<hbm>> -> memref<1x64xi32, #tpu.memory_space<hbm>>
    %dma_start3A_32 = tpu.memref_squeeze %dma_start3A_31 : memref<1x64xi32, #tpu.memory_space<hbm>> -> memref<64xi32, #tpu.memory_space<hbm>>
    %dma_start3A_33 = arith.constant 0 : i32
    %dma_start3A_34 = tpu.memref_slice %arg6[%dma_start3A_27, %dma_start3A_33] : memref<4x64xi32, #tpu.memory_space<vmem>> -> memref<1x64xi32, #tpu.memory_space<vmem>>
    %dma_start3A_35 = tpu.memref_squeeze %dma_start3A_34 : memref<1x64xi32, #tpu.memory_space<vmem>> -> memref<64xi32, #tpu.memory_space<vmem>>
    %dma_start3A_36 = tpu.memref_slice %arg2[%dma_start3A_26, %mul3A_2] : memref<4x2048xi32, #tpu.memory_space<hbm>> -> memref<1x64xi32, #tpu.memory_space<hbm>>
    %dma_start3A_37 = tpu.memref_squeeze %dma_start3A_36 : memref<1x64xi32, #tpu.memory_space<hbm>> -> memref<64xi32, #tpu.memory_space<hbm>>
    tpu.enqueue_dma source(%dma_start3A_37 : memref<64xi32, #tpu.memory_space<hbm>>) target(%dma_start3A_35 : memref<64xi32, #tpu.memory_space<vmem>>) target_semaphore(%arg9 : memref<!tpu.dma_semaphore, #tpu.memory_space<semaphore_mem>>)
    %dma_start3A_38 = arith.constant 3 : i32
    %dma_start3A_39 = arith.constant 3 : i32
    %dma_start3A_40 = arith.constant 0 : i32
    %dma_start3A_41 = tpu.memref_slice %arg6[%dma_start3A_39, %dma_start3A_40] : memref<4x64xi32, #tpu.memory_space<vmem>> -> memref<1x64xi32, #tpu.memory_space<vmem>>
    %dma_start3A_42 = tpu.memref_squeeze %dma_start3A_41 : memref<1x64xi32, #tpu.memory_space<vmem>> -> memref<64xi32, #tpu.memory_space<vmem>>
    %dma_start3A_43 = tpu.memref_slice %arg2[%dma_start3A_38, %mul3A_2] : memref<4x2048xi32, #tpu.memory_space<hbm>> -> memref<1x64xi32, #tpu.memory_space<hbm>>
    %dma_start3A_44 = tpu.memref_squeeze %dma_start3A_43 : memref<1x64xi32, #tpu.memory_space<hbm>> -> memref<64xi32, #tpu.memory_space<hbm>>
    %dma_start3A_45 = arith.constant 0 : i32
    %dma_start3A_46 = tpu.memref_slice %arg6[%dma_start3A_39, %dma_start3A_45] : memref<4x64xi32, #tpu.memory_space<vmem>> -> memref<1x64xi32, #tpu.memory_space<vmem>>
    %dma_start3A_47 = tpu.memref_squeeze %dma_start3A_46 : memref<1x64xi32, #tpu.memory_space<vmem>> -> memref<64xi32, #tpu.memory_space<vmem>>
    %dma_start3A_48 = tpu.memref_slice %arg2[%dma_start3A_38, %mul3A_2] : memref<4x2048xi32, #tpu.memory_space<hbm>> -> memref<1x64xi32, #tpu.memory_space<hbm>>
    %dma_start3A_49 = tpu.memref_squeeze %dma_start3A_48 : memref<1x64xi32, #tpu.memory_space<hbm>> -> memref<64xi32, #tpu.memory_space<hbm>>
    tpu.enqueue_dma source(%dma_start3A_49 : memref<64xi32, #tpu.memory_space<hbm>>) target(%dma_start3A_47 : memref<64xi32, #tpu.memory_space<vmem>>) target_semaphore(%arg9 : memref<!tpu.dma_semaphore, #tpu.memory_space<semaphore_mem>>)
    %dma_wait3A = arith.constant 0 : i32
    %dma_wait3A_50 = arith.constant 0 : i32
    %dma_wait3A_51 = arith.constant 0 : i32
    %dma_wait3A_52 = tpu.memref_slice %arg6[%dma_wait3A_50, %dma_wait3A_51] : memref<4x64xi32, #tpu.memory_space<vmem>> -> memref<1x64xi32, #tpu.memory_space<vmem>>
    %dma_wait3A_53 = tpu.memref_squeeze %dma_wait3A_52 : memref<1x64xi32, #tpu.memory_space<vmem>> -> memref<64xi32, #tpu.memory_space<vmem>>
    %dma_wait3A_54 = tpu.memref_slice %arg2[%dma_wait3A, %mul3A_2] : memref<4x2048xi32, #tpu.memory_space<hbm>> -> memref<1x64xi32, #tpu.memory_space<hbm>>
    %dma_wait3A_55 = tpu.memref_squeeze %dma_wait3A_54 : memref<1x64xi32, #tpu.memory_space<hbm>> -> memref<64xi32, #tpu.memory_space<hbm>>
    %dma_wait3A_56 = arith.constant 0 : i32
    %dma_wait3A_57 = tpu.memref_slice %arg6[%dma_wait3A_50, %dma_wait3A_56] : memref<4x64xi32, #tpu.memory_space<vmem>> -> memref<1x64xi32, #tpu.memory_space<vmem>>
    %dma_wait3A_58 = tpu.memref_squeeze %dma_wait3A_57 : memref<1x64xi32, #tpu.memory_space<vmem>> -> memref<64xi32, #tpu.memory_space<vmem>>
    %dma_wait3A_59 = tpu.memref_slice %arg2[%dma_wait3A, %mul3A_2] : memref<4x2048xi32, #tpu.memory_space<hbm>> -> memref<1x64xi32, #tpu.memory_space<hbm>>
    %dma_wait3A_60 = tpu.memref_squeeze %dma_wait3A_59 : memref<1x64xi32, #tpu.memory_space<hbm>> -> memref<64xi32, #tpu.memory_space<hbm>>
    tpu.wait_dma2 semaphore(%arg9 : memref<!tpu.dma_semaphore, #tpu.memory_space<semaphore_mem>>) src(%dma_wait3A_60 : memref<64xi32, #tpu.memory_space<hbm>>) dst(%dma_wait3A_58 : memref<64xi32, #tpu.memory_space<vmem>>)
    %dma_wait3A_61 = arith.constant 1 : i32
    %dma_wait3A_62 = arith.constant 1 : i32
    %dma_wait3A_63 = arith.constant 0 : i32
    %dma_wait3A_64 = tpu.memref_slice %arg6[%dma_wait3A_62, %dma_wait3A_63] : memref<4x64xi32, #tpu.memory_space<vmem>> -> memref<1x64xi32, #tpu.memory_space<vmem>>
    %dma_wait3A_65 = tpu.memref_squeeze %dma_wait3A_64 : memref<1x64xi32, #tpu.memory_space<vmem>> -> memref<64xi32, #tpu.memory_space<vmem>>
    %dma_wait3A_66 = tpu.memref_slice %arg2[%dma_wait3A_61, %mul3A_2] : memref<4x2048xi32, #tpu.memory_space<hbm>> -> memref<1x64xi32, #tpu.memory_space<hbm>>
    %dma_wait3A_67 = tpu.memref_squeeze %dma_wait3A_66 : memref<1x64xi32, #tpu.memory_space<hbm>> -> memref<64xi32, #tpu.memory_space<hbm>>
    %dma_wait3A_68 = arith.constant 0 : i32
    %dma_wait3A_69 = tpu.memref_slice %arg6[%dma_wait3A_62, %dma_wait3A_68] : memref<4x64xi32, #tpu.memory_space<vmem>> -> memref<1x64xi32, #tpu.memory_space<vmem>>
    %dma_wait3A_70 = tpu.memref_squeeze %dma_wait3A_69 : memref<1x64xi32, #tpu.memory_space<vmem>> -> memref<64xi32, #tpu.memory_space<vmem>>
    %dma_wait3A_71 = tpu.memref_slice %arg2[%dma_wait3A_61, %mul3A_2] : memref<4x2048xi32, #tpu.memory_space<hbm>> -> memref<1x64xi32, #tpu.memory_space<hbm>>
    %dma_wait3A_72 = tpu.memref_squeeze %dma_wait3A_71 : memref<1x64xi32, #tpu.memory_space<hbm>> -> memref<64xi32, #tpu.memory_space<hbm>>
    tpu.wait_dma2 semaphore(%arg9 : memref<!tpu.dma_semaphore, #tpu.memory_space<semaphore_mem>>) src(%dma_wait3A_72 : memref<64xi32, #tpu.memory_space<hbm>>) dst(%dma_wait3A_70 : memref<64xi32, #tpu.memory_space<vmem>>)
    %dma_wait3A_73 = arith.constant 2 : i32
    %dma_wait3A_74 = arith.constant 2 : i32
    %dma_wait3A_75 = arith.constant 0 : i32
    %dma_wait3A_76 = tpu.memref_slice %arg6[%dma_wait3A_74, %dma_wait3A_75] : memref<4x64xi32, #tpu.memory_space<vmem>> -> memref<1x64xi32, #tpu.memory_space<vmem>>
    %dma_wait3A_77 = tpu.memref_squeeze %dma_wait3A_76 : memref<1x64xi32, #tpu.memory_space<vmem>> -> memref<64xi32, #tpu.memory_space<vmem>>
    %dma_wait3A_78 = tpu.memref_slice %arg2[%dma_wait3A_73, %mul3A_2] : memref<4x2048xi32, #tpu.memory_space<hbm>> -> memref<1x64xi32, #tpu.memory_space<hbm>>
    %dma_wait3A_79 = tpu.memref_squeeze %dma_wait3A_78 : memref<1x64xi32, #tpu.memory_space<hbm>> -> memref<64xi32, #tpu.memory_space<hbm>>
    %dma_wait3A_80 = arith.constant 0 : i32
    %dma_wait3A_81 = tpu.memref_slice %arg6[%dma_wait3A_74, %dma_wait3A_80] : memref<4x64xi32, #tpu.memory_space<vmem>> -> memref<1x64xi32, #tpu.memory_space<vmem>>
    %dma_wait3A_82 = tpu.memref_squeeze %dma_wait3A_81 : memref<1x64xi32, #tpu.memory_space<vmem>> -> memref<64xi32, #tpu.memory_space<vmem>>
    %dma_wait3A_83 = tpu.memref_slice %arg2[%dma_wait3A_73, %mul3A_2] : memref<4x2048xi32, #tpu.memory_space<hbm>> -> memref<1x64xi32, #tpu.memory_space<hbm>>
    %dma_wait3A_84 = tpu.memref_squeeze %dma_wait3A_83 : memref<1x64xi32, #tpu.memory_space<hbm>> -> memref<64xi32, #tpu.memory_space<hbm>>
    tpu.wait_dma2 semaphore(%arg9 : memref<!tpu.dma_semaphore, #tpu.memory_space<semaphore_mem>>) src(%dma_wait3A_84 : memref<64xi32, #tpu.memory_space<hbm>>) dst(%dma_wait3A_82 : memref<64xi32, #tpu.memory_space<vmem>>)
    %dma_wait3A_85 = arith.constant 3 : i32
    %dma_wait3A_86 = arith.constant 3 : i32
    %dma_wait3A_87 = arith.constant 0 : i32
    %dma_wait3A_88 = tpu.memref_slice %arg6[%dma_wait3A_86, %dma_wait3A_87] : memref<4x64xi32, #tpu.memory_space<vmem>> -> memref<1x64xi32, #tpu.memory_space<vmem>>
    %dma_wait3A_89 = tpu.memref_squeeze %dma_wait3A_88 : memref<1x64xi32, #tpu.memory_space<vmem>> -> memref<64xi32, #tpu.memory_space<vmem>>
    %dma_wait3A_90 = tpu.memref_slice %arg2[%dma_wait3A_85, %mul3A_2] : memref<4x2048xi32, #tpu.memory_space<hbm>> -> memref<1x64xi32, #tpu.memory_space<hbm>>
    %dma_wait3A_91 = tpu.memref_squeeze %dma_wait3A_90 : memref<1x64xi32, #tpu.memory_space<hbm>> -> memref<64xi32, #tpu.memory_space<hbm>>
    %dma_wait3A_92 = arith.constant 0 : i32
    %dma_wait3A_93 = tpu.memref_slice %arg6[%dma_wait3A_86, %dma_wait3A_92] : memref<4x64xi32, #tpu.memory_space<vmem>> -> memref<1x64xi32, #tpu.memory_space<vmem>>
    %dma_wait3A_94 = tpu.memref_squeeze %dma_wait3A_93 : memref<1x64xi32, #tpu.memory_space<vmem>> -> memref<64xi32, #tpu.memory_space<vmem>>
    %dma_wait3A_95 = tpu.memref_slice %arg2[%dma_wait3A_85, %mul3A_2] : memref<4x2048xi32, #tpu.memory_space<hbm>> -> memref<1x64xi32, #tpu.memory_space<hbm>>
    %dma_wait3A_96 = tpu.memref_squeeze %dma_wait3A_95 : memref<1x64xi32, #tpu.memory_space<hbm>> -> memref<64xi32, #tpu.memory_space<hbm>>
    tpu.wait_dma2 semaphore(%arg9 : memref<!tpu.dma_semaphore, #tpu.memory_space<semaphore_mem>>) src(%dma_wait3A_96 : memref<64xi32, #tpu.memory_space<hbm>>) dst(%dma_wait3A_94 : memref<64xi32, #tpu.memory_space<vmem>>)
    %mul3A_97 = arith.constant 0 : i32
    %mul3A_98 = arith.constant 8 : i32
    %mul3A_99 = arith.muli %mul3A_97, %mul3A_98 : i32
    %multiple_of3A = tpu.assume_multiple %mul3A_99, 8 : i32
    %add3A_100 = arith.addi %mul3A_2, %multiple_of3A : i32
    %rem3A = arith.constant 0 : i32
    %rem3A_101 = arith.constant 3 : i32
    %rem3A_102 = arith.remsi %rem3A, %rem3A_101 : i32
    %dma_start3A_103 = arith.constant 0 : i32
    %dma_start3A_104 = arith.constant 0 : i32
    %dma_start3A_105 = tpu.memref_slice %arg7[%rem3A_102, %dma_start3A_103, %dma_start3A_104] : memref<3x8x1024xf32, #tpu.memory_space<vmem>> -> memref<1x8x1024xf32, #tpu.memory_space<vmem>>
    %dma_start3A_106 = tpu.memref_squeeze %dma_start3A_105 : memref<1x8x1024xf32, #tpu.memory_space<vmem>> -> memref<8x1024xf32, #tpu.memory_space<vmem>>
    %dma_start3A_107 = arith.constant 0 : i32
    %dma_start3A_108 = tpu.memref_slice %arg4[%add3A_100, %dma_start3A_107] : memref<2048x1024xf32, #tpu.memory_space<hbm>> -> memref<8x1024xf32, #tpu.memory_space<hbm>>
    %dma_start3A_109 = arith.constant 0 : i32
    %dma_start3A_110 = arith.constant 0 : i32
    %dma_start3A_111 = tpu.memref_slice %arg7[%rem3A_102, %dma_start3A_109, %dma_start3A_110] : memref<3x8x1024xf32, #tpu.memory_space<vmem>> -> memref<1x8x1024xf32, #tpu.memory_space<vmem>>
    %dma_start3A_112 = tpu.memref_squeeze %dma_start3A_111 : memref<1x8x1024xf32, #tpu.memory_space<vmem>> -> memref<8x1024xf32, #tpu.memory_space<vmem>>
    %dma_start3A_113 = arith.constant 0 : i32
    %dma_start3A_114 = tpu.memref_slice %arg4[%add3A_100, %dma_start3A_113] : memref<2048x1024xf32, #tpu.memory_space<hbm>> -> memref<8x1024xf32, #tpu.memory_space<hbm>>
    tpu.enqueue_dma source(%dma_start3A_114 : memref<8x1024xf32, #tpu.memory_space<hbm>>) target(%dma_start3A_112 : memref<8x1024xf32, #tpu.memory_space<vmem>>) target_semaphore(%arg10 : memref<!tpu.dma_semaphore, #tpu.memory_space<semaphore_mem>>)
    %mul3A_115 = arith.constant 1 : i32
    %mul3A_116 = arith.constant 8 : i32
    %mul3A_117 = arith.muli %mul3A_115, %mul3A_116 : i32
    %multiple_of3A_118 = tpu.assume_multiple %mul3A_117, 8 : i32
    %add3A_119 = arith.addi %mul3A_2, %multiple_of3A_118 : i32
    %rem3A_120 = arith.constant 1 : i32
    %rem3A_121 = arith.constant 3 : i32
    %rem3A_122 = arith.remsi %rem3A_120, %rem3A_121 : i32
    %dma_start3A_123 = arith.constant 0 : i32
    %dma_start3A_124 = arith.constant 0 : i32
    %dma_start3A_125 = tpu.memref_slice %arg7[%rem3A_122, %dma_start3A_123, %dma_start3A_124] : memref<3x8x1024xf32, #tpu.memory_space<vmem>> -> memref<1x8x1024xf32, #tpu.memory_space<vmem>>
    %dma_start3A_126 = tpu.memref_squeeze %dma_start3A_125 : memref<1x8x1024xf32, #tpu.memory_space<vmem>> -> memref<8x1024xf32, #tpu.memory_space<vmem>>
    %dma_start3A_127 = arith.constant 0 : i32
    %dma_start3A_128 = tpu.memref_slice %arg4[%add3A_119, %dma_start3A_127] : memref<2048x1024xf32, #tpu.memory_space<hbm>> -> memref<8x1024xf32, #tpu.memory_space<hbm>>
    %dma_start3A_129 = arith.constant 0 : i32
    %dma_start3A_130 = arith.constant 0 : i32
    %dma_start3A_131 = tpu.memref_slice %arg7[%rem3A_122, %dma_start3A_129, %dma_start3A_130] : memref<3x8x1024xf32, #tpu.memory_space<vmem>> -> memref<1x8x1024xf32, #tpu.memory_space<vmem>>
    %dma_start3A_132 = tpu.memref_squeeze %dma_start3A_131 : memref<1x8x1024xf32, #tpu.memory_space<vmem>> -> memref<8x1024xf32, #tpu.memory_space<vmem>>
    %dma_start3A_133 = arith.constant 0 : i32
    %dma_start3A_134 = tpu.memref_slice %arg4[%add3A_119, %dma_start3A_133] : memref<2048x1024xf32, #tpu.memory_space<hbm>> -> memref<8x1024xf32, #tpu.memory_space<hbm>>
    tpu.enqueue_dma source(%dma_start3A_134 : memref<8x1024xf32, #tpu.memory_space<hbm>>) target(%dma_start3A_132 : memref<8x1024xf32, #tpu.memory_space<vmem>>) target_semaphore(%arg10 : memref<!tpu.dma_semaphore, #tpu.memory_space<semaphore_mem>>)
    %shift_right_logical3A = arith.constant 0 : i32
    %shift_right_logical3A_135 = arith.constant 1 : i32
    %shift_right_logical3A_136 = arith.shrui %shift_right_logical3A, %shift_right_logical3A_135 : i32
    %and3A = arith.constant 0 : i32
    %and3A_137 = arith.constant 1 : i32
    %and3A_138 = arith.andi %and3A, %and3A_137 : i32
    %rem3A_139 = arith.constant 0 : i32
    %rem3A_140 = arith.constant 6 : i32
    %rem3A_141 = arith.remsi %rem3A_139, %rem3A_140 : i32
    %mul3A_142 = arith.constant 2 : i32
    %mul3A_143 = arith.muli %mul3A_142, %and3A_138 : i32
    %add3A_144 = arith.constant 0 : i32
    %add3A_145 = arith.addi %mul3A_143, %add3A_144 : i32
    %mul3A_146 = arith.constant 8 : i32
    %mul3A_147 = arith.muli %shift_right_logical3A_136, %mul3A_146 : i32
    %multiple_of3A_148 = tpu.assume_multiple %mul3A_147, 8 : i32
    %dma_start3A_149 = arith.constant 0 : i32
    %dma_start3A_150 = arith.constant 0 : i32
    %dma_start3A_151 = arith.constant 0 : i32
    %dma_start3A_152 = tpu.memref_slice %arg8[%rem3A_141, %dma_start3A_149, %dma_start3A_150, %dma_start3A_151] : memref<6x2x8x1024xf32, #tpu.memory_space<vmem>> -> memref<1x1x8x1024xf32, #tpu.memory_space<vmem>>
    %dma_start3A_153 = tpu.memref_squeeze %dma_start3A_152 : memref<1x1x8x1024xf32, #tpu.memory_space<vmem>> -> memref<8x1024xf32, #tpu.memory_space<vmem>>
    %dma_start3A_154 = tpu.memref_slice %arg6[%add3A_145, %multiple_of3A_148] : memref<4x64xi32, #tpu.memory_space<vmem>> -> memref<1x8xi32, #tpu.memory_space<vmem>>
    %dma_start3A_155 = tpu.memref_squeeze %dma_start3A_154 : memref<1x8xi32, #tpu.memory_space<vmem>> -> memref<8xi32, #tpu.memory_space<vmem>>
    %dma_start3A_156 = arith.constant 0 : i32
    %dma_start3A_157 = arith.constant 0 : i32
    %dma_start3A_158 = tpu.memref_slice %arg3[%dma_start3A_156, %dma_start3A_157] : memref<50257x1024xf32, #tpu.memory_space<hbm>> -> memref<50257x1024xf32, #tpu.memory_space<hbm>>
    tpu.enqueue_indirect_dma source(%dma_start3A_158 : memref<50257x1024xf32, #tpu.memory_space<hbm>>) target(%dma_start3A_153 : memref<8x1024xf32, #tpu.memory_space<vmem>>) offsets(%dma_start3A_155 : memref<8xi32, #tpu.memory_space<vmem>>) semaphore(%arg9 : memref<!tpu.dma_semaphore, #tpu.memory_space<semaphore_mem>>)
    %mul3A_159 = arith.constant 2 : i32
    %mul3A_160 = arith.muli %mul3A_159, %and3A_138 : i32
    %add3A_161 = arith.constant 1 : i32
    %add3A_162 = arith.addi %mul3A_160, %add3A_161 : i32
    %mul3A_163 = arith.constant 8 : i32
    %mul3A_164 = arith.muli %shift_right_logical3A_136, %mul3A_163 : i32
    %multiple_of3A_165 = tpu.assume_multiple %mul3A_164, 8 : i32
    %dma_start3A_166 = arith.constant 1 : i32
    %dma_start3A_167 = arith.constant 0 : i32
    %dma_start3A_168 = arith.constant 0 : i32
    %dma_start3A_169 = tpu.memref_slice %arg8[%rem3A_141, %dma_start3A_166, %dma_start3A_167, %dma_start3A_168] : memref<6x2x8x1024xf32, #tpu.memory_space<vmem>> -> memref<1x1x8x1024xf32, #tpu.memory_space<vmem>>
    %dma_start3A_170 = tpu.memref_squeeze %dma_start3A_169 : memref<1x1x8x1024xf32, #tpu.memory_space<vmem>> -> memref<8x1024xf32, #tpu.memory_space<vmem>>
    %dma_start3A_171 = tpu.memref_slice %arg6[%add3A_162, %multiple_of3A_165] : memref<4x64xi32, #tpu.memory_space<vmem>> -> memref<1x8xi32, #tpu.memory_space<vmem>>
    %dma_start3A_172 = tpu.memref_squeeze %dma_start3A_171 : memref<1x8xi32, #tpu.memory_space<vmem>> -> memref<8xi32, #tpu.memory_space<vmem>>
    %dma_start3A_173 = arith.constant 0 : i32
    %dma_start3A_174 = arith.constant 0 : i32
    %dma_start3A_175 = tpu.memref_slice %arg3[%dma_start3A_173, %dma_start3A_174] : memref<50257x1024xf32, #tpu.memory_space<hbm>> -> memref<50257x1024xf32, #tpu.memory_space<hbm>>
    tpu.enqueue_indirect_dma source(%dma_start3A_175 : memref<50257x1024xf32, #tpu.memory_space<hbm>>) target(%dma_start3A_170 : memref<8x1024xf32, #tpu.memory_space<vmem>>) offsets(%dma_start3A_172 : memref<8xi32, #tpu.memory_space<vmem>>) semaphore(%arg9 : memref<!tpu.dma_semaphore, #tpu.memory_space<semaphore_mem>>)
    %shift_right_logical3A_176 = arith.constant 1 : i32
    %shift_right_logical3A_177 = arith.constant 1 : i32
    %shift_right_logical3A_178 = arith.shrui %shift_right_logical3A_176, %shift_right_logical3A_177 : i32
    %and3A_179 = arith.constant 1 : i32
    %and3A_180 = arith.constant 1 : i32
    %and3A_181 = arith.andi %and3A_179, %and3A_180 : i32
    %rem3A_182 = arith.constant 1 : i32
    %rem3A_183 = arith.constant 6 : i32
    %rem3A_184 = arith.remsi %rem3A_182, %rem3A_183 : i32
    %mul3A_185 = arith.constant 2 : i32
    %mul3A_186 = arith.muli %mul3A_185, %and3A_181 : i32
    %add3A_187 = arith.constant 0 : i32
    %add3A_188 = arith.addi %mul3A_186, %add3A_187 : i32
    %mul3A_189 = arith.constant 8 : i32
    %mul3A_190 = arith.muli %shift_right_logical3A_178, %mul3A_189 : i32
    %multiple_of3A_191 = tpu.assume_multiple %mul3A_190, 8 : i32
    %dma_start3A_192 = arith.constant 0 : i32
    %dma_start3A_193 = arith.constant 0 : i32
    %dma_start3A_194 = arith.constant 0 : i32
    %dma_start3A_195 = tpu.memref_slice %arg8[%rem3A_184, %dma_start3A_192, %dma_start3A_193, %dma_start3A_194] : memref<6x2x8x1024xf32, #tpu.memory_space<vmem>> -> memref<1x1x8x1024xf32, #tpu.memory_space<vmem>>
    %dma_start3A_196 = tpu.memref_squeeze %dma_start3A_195 : memref<1x1x8x1024xf32, #tpu.memory_space<vmem>> -> memref<8x1024xf32, #tpu.memory_space<vmem>>
    %dma_start3A_197 = tpu.memref_slice %arg6[%add3A_188, %multiple_of3A_191] : memref<4x64xi32, #tpu.memory_space<vmem>> -> memref<1x8xi32, #tpu.memory_space<vmem>>
    %dma_start3A_198 = tpu.memref_squeeze %dma_start3A_197 : memref<1x8xi32, #tpu.memory_space<vmem>> -> memref<8xi32, #tpu.memory_space<vmem>>
    %dma_start3A_199 = arith.constant 0 : i32
    %dma_start3A_200 = arith.constant 0 : i32
    %dma_start3A_201 = tpu.memref_slice %arg3[%dma_start3A_199, %dma_start3A_200] : memref<50257x1024xf32, #tpu.memory_space<hbm>> -> memref<50257x1024xf32, #tpu.memory_space<hbm>>
    tpu.enqueue_indirect_dma source(%dma_start3A_201 : memref<50257x1024xf32, #tpu.memory_space<hbm>>) target(%dma_start3A_196 : memref<8x1024xf32, #tpu.memory_space<vmem>>) offsets(%dma_start3A_198 : memref<8xi32, #tpu.memory_space<vmem>>) semaphore(%arg9 : memref<!tpu.dma_semaphore, #tpu.memory_space<semaphore_mem>>)
    %mul3A_202 = arith.constant 2 : i32
    %mul3A_203 = arith.muli %mul3A_202, %and3A_181 : i32
    %add3A_204 = arith.constant 1 : i32
    %add3A_205 = arith.addi %mul3A_203, %add3A_204 : i32
    %mul3A_206 = arith.constant 8 : i32
    %mul3A_207 = arith.muli %shift_right_logical3A_178, %mul3A_206 : i32
    %multiple_of3A_208 = tpu.assume_multiple %mul3A_207, 8 : i32
    %dma_start3A_209 = arith.constant 1 : i32
    %dma_start3A_210 = arith.constant 0 : i32
    %dma_start3A_211 = arith.constant 0 : i32
    %dma_start3A_212 = tpu.memref_slice %arg8[%rem3A_184, %dma_start3A_209, %dma_start3A_210, %dma_start3A_211] : memref<6x2x8x1024xf32, #tpu.memory_space<vmem>> -> memref<1x1x8x1024xf32, #tpu.memory_space<vmem>>
    %dma_start3A_213 = tpu.memref_squeeze %dma_start3A_212 : memref<1x1x8x1024xf32, #tpu.memory_space<vmem>> -> memref<8x1024xf32, #tpu.memory_space<vmem>>
    %dma_start3A_214 = tpu.memref_slice %arg6[%add3A_205, %multiple_of3A_208] : memref<4x64xi32, #tpu.memory_space<vmem>> -> memref<1x8xi32, #tpu.memory_space<vmem>>
    %dma_start3A_215 = tpu.memref_squeeze %dma_start3A_214 : memref<1x8xi32, #tpu.memory_space<vmem>> -> memref<8xi32, #tpu.memory_space<vmem>>
    %dma_start3A_216 = arith.constant 0 : i32
    %dma_start3A_217 = arith.constant 0 : i32
    %dma_start3A_218 = tpu.memref_slice %arg3[%dma_start3A_216, %dma_start3A_217] : memref<50257x1024xf32, #tpu.memory_space<hbm>> -> memref<50257x1024xf32, #tpu.memory_space<hbm>>
    tpu.enqueue_indirect_dma source(%dma_start3A_218 : memref<50257x1024xf32, #tpu.memory_space<hbm>>) target(%dma_start3A_213 : memref<8x1024xf32, #tpu.memory_space<vmem>>) offsets(%dma_start3A_215 : memref<8xi32, #tpu.memory_space<vmem>>) semaphore(%arg9 : memref<!tpu.dma_semaphore, #tpu.memory_space<semaphore_mem>>)
    %shift_right_logical3A_219 = arith.constant 2 : i32
    %shift_right_logical3A_220 = arith.constant 1 : i32
    %shift_right_logical3A_221 = arith.shrui %shift_right_logical3A_219, %shift_right_logical3A_220 : i32
    %and3A_222 = arith.constant 2 : i32
    %and3A_223 = arith.constant 1 : i32
    %and3A_224 = arith.andi %and3A_222, %and3A_223 : i32
    %rem3A_225 = arith.constant 2 : i32
    %rem3A_226 = arith.constant 6 : i32
    %rem3A_227 = arith.remsi %rem3A_225, %rem3A_226 : i32
    %mul3A_228 = arith.constant 2 : i32
    %mul3A_229 = arith.muli %mul3A_228, %and3A_224 : i32
    %add3A_230 = arith.constant 0 : i32
    %add3A_231 = arith.addi %mul3A_229, %add3A_230 : i32
    %mul3A_232 = arith.constant 8 : i32
    %mul3A_233 = arith.muli %shift_right_logical3A_221, %mul3A_232 : i32
    %multiple_of3A_234 = tpu.assume_multiple %mul3A_233, 8 : i32
    %dma_start3A_235 = arith.constant 0 : i32
    %dma_start3A_236 = arith.constant 0 : i32
    %dma_start3A_237 = arith.constant 0 : i32
    %dma_start3A_238 = tpu.memref_slice %arg8[%rem3A_227, %dma_start3A_235, %dma_start3A_236, %dma_start3A_237] : memref<6x2x8x1024xf32, #tpu.memory_space<vmem>> -> memref<1x1x8x1024xf32, #tpu.memory_space<vmem>>
    %dma_start3A_239 = tpu.memref_squeeze %dma_start3A_238 : memref<1x1x8x1024xf32, #tpu.memory_space<vmem>> -> memref<8x1024xf32, #tpu.memory_space<vmem>>
    %dma_start3A_240 = tpu.memref_slice %arg6[%add3A_231, %multiple_of3A_234] : memref<4x64xi32, #tpu.memory_space<vmem>> -> memref<1x8xi32, #tpu.memory_space<vmem>>
    %dma_start3A_241 = tpu.memref_squeeze %dma_start3A_240 : memref<1x8xi32, #tpu.memory_space<vmem>> -> memref<8xi32, #tpu.memory_space<vmem>>
    %dma_start3A_242 = arith.constant 0 : i32
    %dma_start3A_243 = arith.constant 0 : i32
    %dma_start3A_244 = tpu.memref_slice %arg3[%dma_start3A_242, %dma_start3A_243] : memref<50257x1024xf32, #tpu.memory_space<hbm>> -> memref<50257x1024xf32, #tpu.memory_space<hbm>>
    tpu.enqueue_indirect_dma source(%dma_start3A_244 : memref<50257x1024xf32, #tpu.memory_space<hbm>>) target(%dma_start3A_239 : memref<8x1024xf32, #tpu.memory_space<vmem>>) offsets(%dma_start3A_241 : memref<8xi32, #tpu.memory_space<vmem>>) semaphore(%arg9 : memref<!tpu.dma_semaphore, #tpu.memory_space<semaphore_mem>>)
    %mul3A_245 = arith.constant 2 : i32
    %mul3A_246 = arith.muli %mul3A_245, %and3A_224 : i32
    %add3A_247 = arith.constant 1 : i32
    %add3A_248 = arith.addi %mul3A_246, %add3A_247 : i32
    %mul3A_249 = arith.constant 8 : i32
    %mul3A_250 = arith.muli %shift_right_logical3A_221, %mul3A_249 : i32
    %multiple_of3A_251 = tpu.assume_multiple %mul3A_250, 8 : i32
    %dma_start3A_252 = arith.constant 1 : i32
    %dma_start3A_253 = arith.constant 0 : i32
    %dma_start3A_254 = arith.constant 0 : i32
    %dma_start3A_255 = tpu.memref_slice %arg8[%rem3A_227, %dma_start3A_252, %dma_start3A_253, %dma_start3A_254] : memref<6x2x8x1024xf32, #tpu.memory_space<vmem>> -> memref<1x1x8x1024xf32, #tpu.memory_space<vmem>>
    %dma_start3A_256 = tpu.memref_squeeze %dma_start3A_255 : memref<1x1x8x1024xf32, #tpu.memory_space<vmem>> -> memref<8x1024xf32, #tpu.memory_space<vmem>>
    %dma_start3A_257 = tpu.memref_slice %arg6[%add3A_248, %multiple_of3A_251] : memref<4x64xi32, #tpu.memory_space<vmem>> -> memref<1x8xi32, #tpu.memory_space<vmem>>
    %dma_start3A_258 = tpu.memref_squeeze %dma_start3A_257 : memref<1x8xi32, #tpu.memory_space<vmem>> -> memref<8xi32, #tpu.memory_space<vmem>>
    %dma_start3A_259 = arith.constant 0 : i32
    %dma_start3A_260 = arith.constant 0 : i32
    %dma_start3A_261 = tpu.memref_slice %arg3[%dma_start3A_259, %dma_start3A_260] : memref<50257x1024xf32, #tpu.memory_space<hbm>> -> memref<50257x1024xf32, #tpu.memory_space<hbm>>
    tpu.enqueue_indirect_dma source(%dma_start3A_261 : memref<50257x1024xf32, #tpu.memory_space<hbm>>) target(%dma_start3A_256 : memref<8x1024xf32, #tpu.memory_space<vmem>>) offsets(%dma_start3A_258 : memref<8xi32, #tpu.memory_space<vmem>>) semaphore(%arg9 : memref<!tpu.dma_semaphore, #tpu.memory_space<semaphore_mem>>)
    %scan3A = arith.constant 0 : i32
    %scan3A_262 = arith.constant 0 : i32
    %scan3A_263 = arith.constant 16 : i32
    %scan3A_264 = arith.addi %scan3A_262, %scan3A_263 : i32
    %scan3A_265 = arith.constant 1 : i32
    scf.for %scan3A_381 = %scan3A_262 to %scan3A_264 step %scan3A_265  : i32 {
      %shift_right_logical3A_382 = arith.constant 1 : i32
      %shift_right_logical3A_383 = arith.shrui %scan3A_381, %shift_right_logical3A_382 : i32
      %and3A_384 = arith.constant 1 : i32
      %and3A_385 = arith.andi %scan3A_381, %and3A_384 : i32
      %rem3A_386 = arith.constant 6 : i32
      %rem3A_387 = arith.remsi %scan3A_381, %rem3A_386 : i32
      %rem3A_388 = arith.constant 3 : i32
      %rem3A_389 = arith.remsi %shift_right_logical3A_383, %rem3A_388 : i32
      %ge3A = arith.constant 3 : i32
      %ge3A_390 = arith.cmpi sge, %scan3A_381, %ge3A : i32
      %convert_element_type3A = arith.extui %ge3A_390 : i1 to i32
      %cond3A = arith.constant 0 : i32
      %cond3A_391 = arith.cmpi ne, %convert_element_type3A, %cond3A : i32
      scf.if %cond3A_391 {
        %mul3A_484 = arith.constant 8 : i32
        %mul3A_485 = arith.muli %shift_right_logical3A_383, %mul3A_484 : i32
        %multiple_of3A_486 = tpu.assume_multiple %mul3A_485, 8 : i32
        %dma_wait3A_487 = arith.constant 0 : i32
        %dma_wait3A_488 = arith.constant 0 : i32
        %dma_wait3A_489 = arith.constant 0 : i32
        %dma_wait3A_490 = arith.constant 0 : i32
        %dma_wait3A_491 = tpu.memref_slice %arg8[%rem3A_387, %dma_wait3A_487, %dma_wait3A_489, %dma_wait3A_490] : memref<6x2x8x1024xf32, #tpu.memory_space<vmem>> -> memref<1x1x8x1024xf32, #tpu.memory_space<vmem>>
        %dma_wait3A_492 = tpu.memref_squeeze %dma_wait3A_491 : memref<1x1x8x1024xf32, #tpu.memory_space<vmem>> -> memref<8x1024xf32, #tpu.memory_space<vmem>>
        %dma_wait3A_493 = arith.constant 0 : i32
        %dma_wait3A_494 = tpu.memref_slice %arg5[%dma_wait3A_488, %multiple_of3A_486, %dma_wait3A_493] : memref<4x2048x1024xf32, #tpu.memory_space<hbm>> -> memref<1x8x1024xf32, #tpu.memory_space<hbm>>
        %dma_wait3A_495 = tpu.memref_squeeze %dma_wait3A_494 : memref<1x8x1024xf32, #tpu.memory_space<hbm>> -> memref<8x1024xf32, #tpu.memory_space<hbm>>
        %dma_wait3A_496 = arith.constant 0 : i32
        %dma_wait3A_497 = tpu.memref_slice %arg5[%dma_wait3A_488, %multiple_of3A_486, %dma_wait3A_496] : memref<4x2048x1024xf32, #tpu.memory_space<hbm>> -> memref<1x8x1024xf32, #tpu.memory_space<hbm>>
        %dma_wait3A_498 = tpu.memref_squeeze %dma_wait3A_497 : memref<1x8x1024xf32, #tpu.memory_space<hbm>> -> memref<8x1024xf32, #tpu.memory_space<hbm>>
        %dma_wait3A_499 = arith.constant 0 : i32
        %dma_wait3A_500 = arith.constant 0 : i32
        %dma_wait3A_501 = tpu.memref_slice %arg8[%rem3A_387, %dma_wait3A_487, %dma_wait3A_499, %dma_wait3A_500] : memref<6x2x8x1024xf32, #tpu.memory_space<vmem>> -> memref<1x1x8x1024xf32, #tpu.memory_space<vmem>>
        %dma_wait3A_502 = tpu.memref_squeeze %dma_wait3A_501 : memref<1x1x8x1024xf32, #tpu.memory_space<vmem>> -> memref<8x1024xf32, #tpu.memory_space<vmem>>
        tpu.wait_dma2 semaphore(%arg11 : memref<!tpu.dma_semaphore, #tpu.memory_space<semaphore_mem>>) src(%dma_wait3A_502 : memref<8x1024xf32, #tpu.memory_space<vmem>>) dst(%dma_wait3A_498 : memref<8x1024xf32, #tpu.memory_space<hbm>>)
        %mul3A_503 = arith.constant 8 : i32
        %mul3A_504 = arith.muli %shift_right_logical3A_383, %mul3A_503 : i32
        %multiple_of3A_505 = tpu.assume_multiple %mul3A_504, 8 : i32
        %dma_wait3A_506 = arith.constant 1 : i32
        %dma_wait3A_507 = arith.constant 0 : i32
        %dma_wait3A_508 = arith.constant 0 : i32
        %dma_wait3A_509 = arith.constant 0 : i32
        %dma_wait3A_510 = tpu.memref_slice %arg8[%rem3A_387, %dma_wait3A_506, %dma_wait3A_508, %dma_wait3A_509] : memref<6x2x8x1024xf32, #tpu.memory_space<vmem>> -> memref<1x1x8x1024xf32, #tpu.memory_space<vmem>>
        %dma_wait3A_511 = tpu.memref_squeeze %dma_wait3A_510 : memref<1x1x8x1024xf32, #tpu.memory_space<vmem>> -> memref<8x1024xf32, #tpu.memory_space<vmem>>
        %dma_wait3A_512 = arith.constant 0 : i32
        %dma_wait3A_513 = tpu.memref_slice %arg5[%dma_wait3A_507, %multiple_of3A_505, %dma_wait3A_512] : memref<4x2048x1024xf32, #tpu.memory_space<hbm>> -> memref<1x8x1024xf32, #tpu.memory_space<hbm>>
        %dma_wait3A_514 = tpu.memref_squeeze %dma_wait3A_513 : memref<1x8x1024xf32, #tpu.memory_space<hbm>> -> memref<8x1024xf32, #tpu.memory_space<hbm>>
        %dma_wait3A_515 = arith.constant 0 : i32
        %dma_wait3A_516 = tpu.memref_slice %arg5[%dma_wait3A_507, %multiple_of3A_505, %dma_wait3A_515] : memref<4x2048x1024xf32, #tpu.memory_space<hbm>> -> memref<1x8x1024xf32, #tpu.memory_space<hbm>>
        %dma_wait3A_517 = tpu.memref_squeeze %dma_wait3A_516 : memref<1x8x1024xf32, #tpu.memory_space<hbm>> -> memref<8x1024xf32, #tpu.memory_space<hbm>>
        %dma_wait3A_518 = arith.constant 0 : i32
        %dma_wait3A_519 = arith.constant 0 : i32
        %dma_wait3A_520 = tpu.memref_slice %arg8[%rem3A_387, %dma_wait3A_506, %dma_wait3A_518, %dma_wait3A_519] : memref<6x2x8x1024xf32, #tpu.memory_space<vmem>> -> memref<1x1x8x1024xf32, #tpu.memory_space<vmem>>
        %dma_wait3A_521 = tpu.memref_squeeze %dma_wait3A_520 : memref<1x1x8x1024xf32, #tpu.memory_space<vmem>> -> memref<8x1024xf32, #tpu.memory_space<vmem>>
        tpu.wait_dma2 semaphore(%arg11 : memref<!tpu.dma_semaphore, #tpu.memory_space<semaphore_mem>>) src(%dma_wait3A_521 : memref<8x1024xf32, #tpu.memory_space<vmem>>) dst(%dma_wait3A_517 : memref<8x1024xf32, #tpu.memory_space<hbm>>)
      } else {
      }
      %add3A_392 = arith.constant 3 : i32
      %add3A_393 = arith.addi %scan3A_381, %add3A_392 : i32
      %lt3A = arith.constant 16 : i32
      %lt3A_394 = arith.cmpi slt, %add3A_393, %lt3A : i32
      %convert_element_type3A_395 = arith.extui %lt3A_394 : i1 to i32
      %cond3A_396 = arith.constant 0 : i32
      %cond3A_397 = arith.cmpi ne, %convert_element_type3A_395, %cond3A_396 : i32
      scf.if %cond3A_397 {
        %add3A_484 = arith.constant 3 : i32
        %add3A_485 = arith.addi %scan3A_381, %add3A_484 : i32
        %shift_right_logical3A_486 = arith.constant 1 : i32
        %shift_right_logical3A_487 = arith.shrui %add3A_485, %shift_right_logical3A_486 : i32
        %and3A_488 = arith.constant 1 : i32
        %and3A_489 = arith.andi %add3A_485, %and3A_488 : i32
        %rem3A_490 = arith.constant 6 : i32
        %rem3A_491 = arith.remsi %add3A_485, %rem3A_490 : i32
        %mul3A_492 = arith.constant 2 : i32
        %mul3A_493 = arith.muli %mul3A_492, %and3A_489 : i32
        %add3A_494 = arith.constant 0 : i32
        %add3A_495 = arith.addi %mul3A_493, %add3A_494 : i32
        %mul3A_496 = arith.constant 8 : i32
        %mul3A_497 = arith.muli %shift_right_logical3A_487, %mul3A_496 : i32
        %multiple_of3A_498 = tpu.assume_multiple %mul3A_497, 8 : i32
        %dma_start3A_499 = arith.constant 0 : i32
        %dma_start3A_500 = arith.constant 0 : i32
        %dma_start3A_501 = arith.constant 0 : i32
        %dma_start3A_502 = tpu.memref_slice %arg8[%rem3A_491, %dma_start3A_499, %dma_start3A_500, %dma_start3A_501] : memref<6x2x8x1024xf32, #tpu.memory_space<vmem>> -> memref<1x1x8x1024xf32, #tpu.memory_space<vmem>>
        %dma_start3A_503 = tpu.memref_squeeze %dma_start3A_502 : memref<1x1x8x1024xf32, #tpu.memory_space<vmem>> -> memref<8x1024xf32, #tpu.memory_space<vmem>>
        %dma_start3A_504 = tpu.memref_slice %arg6[%add3A_495, %multiple_of3A_498] : memref<4x64xi32, #tpu.memory_space<vmem>> -> memref<1x8xi32, #tpu.memory_space<vmem>>
        %dma_start3A_505 = tpu.memref_squeeze %dma_start3A_504 : memref<1x8xi32, #tpu.memory_space<vmem>> -> memref<8xi32, #tpu.memory_space<vmem>>
        %dma_start3A_506 = arith.constant 0 : i32
        %dma_start3A_507 = arith.constant 0 : i32
        %dma_start3A_508 = tpu.memref_slice %arg3[%dma_start3A_506, %dma_start3A_507] : memref<50257x1024xf32, #tpu.memory_space<hbm>> -> memref<50257x1024xf32, #tpu.memory_space<hbm>>
        tpu.enqueue_indirect_dma source(%dma_start3A_508 : memref<50257x1024xf32, #tpu.memory_space<hbm>>) target(%dma_start3A_503 : memref<8x1024xf32, #tpu.memory_space<vmem>>) offsets(%dma_start3A_505 : memref<8xi32, #tpu.memory_space<vmem>>) semaphore(%arg9 : memref<!tpu.dma_semaphore, #tpu.memory_space<semaphore_mem>>)
        %mul3A_509 = arith.constant 2 : i32
        %mul3A_510 = arith.muli %mul3A_509, %and3A_489 : i32
        %add3A_511 = arith.constant 1 : i32
        %add3A_512 = arith.addi %mul3A_510, %add3A_511 : i32
        %mul3A_513 = arith.constant 8 : i32
        %mul3A_514 = arith.muli %shift_right_logical3A_487, %mul3A_513 : i32
        %multiple_of3A_515 = tpu.assume_multiple %mul3A_514, 8 : i32
        %dma_start3A_516 = arith.constant 1 : i32
        %dma_start3A_517 = arith.constant 0 : i32
        %dma_start3A_518 = arith.constant 0 : i32
        %dma_start3A_519 = tpu.memref_slice %arg8[%rem3A_491, %dma_start3A_516, %dma_start3A_517, %dma_start3A_518] : memref<6x2x8x1024xf32, #tpu.memory_space<vmem>> -> memref<1x1x8x1024xf32, #tpu.memory_space<vmem>>
        %dma_start3A_520 = tpu.memref_squeeze %dma_start3A_519 : memref<1x1x8x1024xf32, #tpu.memory_space<vmem>> -> memref<8x1024xf32, #tpu.memory_space<vmem>>
        %dma_start3A_521 = tpu.memref_slice %arg6[%add3A_512, %multiple_of3A_515] : memref<4x64xi32, #tpu.memory_space<vmem>> -> memref<1x8xi32, #tpu.memory_space<vmem>>
        %dma_start3A_522 = tpu.memref_squeeze %dma_start3A_521 : memref<1x8xi32, #tpu.memory_space<vmem>> -> memref<8xi32, #tpu.memory_space<vmem>>
        %dma_start3A_523 = arith.constant 0 : i32
        %dma_start3A_524 = arith.constant 0 : i32
        %dma_start3A_525 = tpu.memref_slice %arg3[%dma_start3A_523, %dma_start3A_524] : memref<50257x1024xf32, #tpu.memory_space<hbm>> -> memref<50257x1024xf32, #tpu.memory_space<hbm>>
        tpu.enqueue_indirect_dma source(%dma_start3A_525 : memref<50257x1024xf32, #tpu.memory_space<hbm>>) target(%dma_start3A_520 : memref<8x1024xf32, #tpu.memory_space<vmem>>) offsets(%dma_start3A_522 : memref<8xi32, #tpu.memory_space<vmem>>) semaphore(%arg9 : memref<!tpu.dma_semaphore, #tpu.memory_space<semaphore_mem>>)
      } else {
      }
      %eq3A = arith.constant 0 : i32
      %eq3A_398 = arith.cmpi eq, %and3A_385, %eq3A : i32
      %convert_element_type3A_399 = arith.extui %eq3A_398 : i1 to i32
      %cond3A_400 = arith.constant 0 : i32
      %cond3A_401 = arith.cmpi ne, %convert_element_type3A_399, %cond3A_400 : i32
      scf.if %cond3A_401 {
        %dma_wait3A_484 = arith.constant 0 : i32
        %dma_wait3A_485 = arith.constant 0 : i32
        %dma_wait3A_486 = tpu.memref_slice %arg7[%rem3A_389, %dma_wait3A_484, %dma_wait3A_485] : memref<3x8x1024xf32, #tpu.memory_space<vmem>> -> memref<1x8x1024xf32, #tpu.memory_space<vmem>>
        %dma_wait3A_487 = tpu.memref_squeeze %dma_wait3A_486 : memref<1x8x1024xf32, #tpu.memory_space<vmem>> -> memref<8x1024xf32, #tpu.memory_space<vmem>>
        %dma_wait3A_488 = arith.constant 0 : i32
        %dma_wait3A_489 = arith.constant 0 : i32
        %dma_wait3A_490 = tpu.memref_slice %arg4[%dma_wait3A_488, %dma_wait3A_489] : memref<2048x1024xf32, #tpu.memory_space<hbm>> -> memref<8x1024xf32, #tpu.memory_space<hbm>>
        %dma_wait3A_491 = arith.constant 0 : i32
        %dma_wait3A_492 = arith.constant 0 : i32
        %dma_wait3A_493 = tpu.memref_slice %arg7[%rem3A_389, %dma_wait3A_491, %dma_wait3A_492] : memref<3x8x1024xf32, #tpu.memory_space<vmem>> -> memref<1x8x1024xf32, #tpu.memory_space<vmem>>
        %dma_wait3A_494 = tpu.memref_squeeze %dma_wait3A_493 : memref<1x8x1024xf32, #tpu.memory_space<vmem>> -> memref<8x1024xf32, #tpu.memory_space<vmem>>
        %dma_wait3A_495 = arith.constant 0 : i32
        %dma_wait3A_496 = arith.constant 0 : i32
        %dma_wait3A_497 = tpu.memref_slice %arg4[%dma_wait3A_495, %dma_wait3A_496] : memref<2048x1024xf32, #tpu.memory_space<hbm>> -> memref<8x1024xf32, #tpu.memory_space<hbm>>
        tpu.wait_dma2 semaphore(%arg10 : memref<!tpu.dma_semaphore, #tpu.memory_space<semaphore_mem>>) src(%dma_wait3A_497 : memref<8x1024xf32, #tpu.memory_space<hbm>>) dst(%dma_wait3A_494 : memref<8x1024xf32, #tpu.memory_space<vmem>>)
        %add3A_498 = arith.constant 2 : i32
        %add3A_499 = arith.addi %shift_right_logical3A_383, %add3A_498 : i32
        %lt3A_500 = arith.constant 8 : i32
        %lt3A_501 = arith.cmpi slt, %add3A_499, %lt3A_500 : i32
        %convert_element_type3A_502 = arith.extui %lt3A_501 : i1 to i32
        %cond3A_503 = arith.constant 0 : i32
        %cond3A_504 = arith.cmpi ne, %convert_element_type3A_502, %cond3A_503 : i32
        scf.if %cond3A_504 {
          %add3A_505 = arith.constant 2 : i32
          %add3A_506 = arith.addi %shift_right_logical3A_383, %add3A_505 : i32
          %mul3A_507 = arith.constant 8 : i32
          %mul3A_508 = arith.muli %add3A_506, %mul3A_507 : i32
          %multiple_of3A_509 = tpu.assume_multiple %mul3A_508, 8 : i32
          %add3A_510 = arith.addi %mul3A_2, %multiple_of3A_509 : i32
          %rem3A_511 = arith.constant 3 : i32
          %rem3A_512 = arith.remsi %add3A_506, %rem3A_511 : i32
          %dma_start3A_513 = arith.constant 0 : i32
          %dma_start3A_514 = arith.constant 0 : i32
          %dma_start3A_515 = tpu.memref_slice %arg7[%rem3A_512, %dma_start3A_513, %dma_start3A_514] : memref<3x8x1024xf32, #tpu.memory_space<vmem>> -> memref<1x8x1024xf32, #tpu.memory_space<vmem>>
          %dma_start3A_516 = tpu.memref_squeeze %dma_start3A_515 : memref<1x8x1024xf32, #tpu.memory_space<vmem>> -> memref<8x1024xf32, #tpu.memory_space<vmem>>
          %dma_start3A_517 = arith.constant 0 : i32
          %dma_start3A_518 = tpu.memref_slice %arg4[%add3A_510, %dma_start3A_517] : memref<2048x1024xf32, #tpu.memory_space<hbm>> -> memref<8x1024xf32, #tpu.memory_space<hbm>>
          %dma_start3A_519 = arith.constant 0 : i32
          %dma_start3A_520 = arith.constant 0 : i32
          %dma_start3A_521 = tpu.memref_slice %arg7[%rem3A_512, %dma_start3A_519, %dma_start3A_520] : memref<3x8x1024xf32, #tpu.memory_space<vmem>> -> memref<1x8x1024xf32, #tpu.memory_space<vmem>>
          %dma_start3A_522 = tpu.memref_squeeze %dma_start3A_521 : memref<1x8x1024xf32, #tpu.memory_space<vmem>> -> memref<8x1024xf32, #tpu.memory_space<vmem>>
          %dma_start3A_523 = arith.constant 0 : i32
          %dma_start3A_524 = tpu.memref_slice %arg4[%add3A_510, %dma_start3A_523] : memref<2048x1024xf32, #tpu.memory_space<hbm>> -> memref<8x1024xf32, #tpu.memory_space<hbm>>
          tpu.enqueue_dma source(%dma_start3A_524 : memref<8x1024xf32, #tpu.memory_space<hbm>>) target(%dma_start3A_522 : memref<8x1024xf32, #tpu.memory_space<vmem>>) target_semaphore(%arg10 : memref<!tpu.dma_semaphore, #tpu.memory_space<semaphore_mem>>)
        } else {
        }
      } else {
      }
      %mul3A_402 = arith.constant 2 : i32
      %mul3A_403 = arith.muli %mul3A_402, %and3A_385 : i32
      %add3A_404 = arith.constant 0 : i32
      %add3A_405 = arith.addi %mul3A_403, %add3A_404 : i32
      %mul3A_406 = arith.constant 8 : i32
      %mul3A_407 = arith.muli %shift_right_logical3A_383, %mul3A_406 : i32
      %multiple_of3A_408 = tpu.assume_multiple %mul3A_407, 8 : i32
      %dma_wait3A_409 = arith.constant 0 : i32
      %dma_wait3A_410 = arith.constant 0 : i32
      %dma_wait3A_411 = arith.constant 0 : i32
      %dma_wait3A_412 = tpu.memref_slice %arg8[%rem3A_387, %dma_wait3A_409, %dma_wait3A_410, %dma_wait3A_411] : memref<6x2x8x1024xf32, #tpu.memory_space<vmem>> -> memref<1x1x8x1024xf32, #tpu.memory_space<vmem>>
      %dma_wait3A_413 = tpu.memref_squeeze %dma_wait3A_412 : memref<1x1x8x1024xf32, #tpu.memory_space<vmem>> -> memref<8x1024xf32, #tpu.memory_space<vmem>>
      %dma_wait3A_414 = tpu.memref_slice %arg6[%add3A_405, %multiple_of3A_408] : memref<4x64xi32, #tpu.memory_space<vmem>> -> memref<1x8xi32, #tpu.memory_space<vmem>>
      %dma_wait3A_415 = tpu.memref_squeeze %dma_wait3A_414 : memref<1x8xi32, #tpu.memory_space<vmem>> -> memref<8xi32, #tpu.memory_space<vmem>>
      %dma_wait3A_416 = arith.constant 0 : i32
      %dma_wait3A_417 = arith.constant 0 : i32
      %dma_wait3A_418 = tpu.memref_slice %arg3[%dma_wait3A_416, %dma_wait3A_417] : memref<50257x1024xf32, #tpu.memory_space<hbm>> -> memref<50257x1024xf32, #tpu.memory_space<hbm>>
      tpu.wait_indirect_dma semaphore(%arg9 : memref<!tpu.dma_semaphore, #tpu.memory_space<semaphore_mem>>) src(%dma_wait3A_418 : memref<50257x1024xf32, #tpu.memory_space<hbm>>) dst(%dma_wait3A_413 : memref<8x1024xf32, #tpu.memory_space<vmem>>)
      %mul3A_419 = arith.constant 2 : i32
      %mul3A_420 = arith.muli %mul3A_419, %and3A_385 : i32
      %add3A_421 = arith.constant 1 : i32
      %add3A_422 = arith.addi %mul3A_420, %add3A_421 : i32
      %mul3A_423 = arith.constant 8 : i32
      %mul3A_424 = arith.muli %shift_right_logical3A_383, %mul3A_423 : i32
      %multiple_of3A_425 = tpu.assume_multiple %mul3A_424, 8 : i32
      %dma_wait3A_426 = arith.constant 1 : i32
      %dma_wait3A_427 = arith.constant 0 : i32
      %dma_wait3A_428 = arith.constant 0 : i32
      %dma_wait3A_429 = tpu.memref_slice %arg8[%rem3A_387, %dma_wait3A_426, %dma_wait3A_427, %dma_wait3A_428] : memref<6x2x8x1024xf32, #tpu.memory_space<vmem>> -> memref<1x1x8x1024xf32, #tpu.memory_space<vmem>>
      %dma_wait3A_430 = tpu.memref_squeeze %dma_wait3A_429 : memref<1x1x8x1024xf32, #tpu.memory_space<vmem>> -> memref<8x1024xf32, #tpu.memory_space<vmem>>
      %dma_wait3A_431 = tpu.memref_slice %arg6[%add3A_422, %multiple_of3A_425] : memref<4x64xi32, #tpu.memory_space<vmem>> -> memref<1x8xi32, #tpu.memory_space<vmem>>
      %dma_wait3A_432 = tpu.memref_squeeze %dma_wait3A_431 : memref<1x8xi32, #tpu.memory_space<vmem>> -> memref<8xi32, #tpu.memory_space<vmem>>
      %dma_wait3A_433 = arith.constant 0 : i32
      %dma_wait3A_434 = arith.constant 0 : i32
      %dma_wait3A_435 = tpu.memref_slice %arg3[%dma_wait3A_433, %dma_wait3A_434] : memref<50257x1024xf32, #tpu.memory_space<hbm>> -> memref<50257x1024xf32, #tpu.memory_space<hbm>>
      tpu.wait_indirect_dma semaphore(%arg9 : memref<!tpu.dma_semaphore, #tpu.memory_space<semaphore_mem>>) src(%dma_wait3A_435 : memref<50257x1024xf32, #tpu.memory_space<hbm>>) dst(%dma_wait3A_430 : memref<8x1024xf32, #tpu.memory_space<vmem>>)
      %parallel_loop3A = arith.constant 0 : i32
      %parallel_loop3A_436 = arith.constant 512 : i32
      %parallel_loop3A_437 = arith.constant 1 : i32
      scf.for %parallel_loop3A_484 = %parallel_loop3A to %parallel_loop3A_436 step %parallel_loop3A_437  : i32 {
        %parallel_loop3A_485 = arith.constant 6 : i32
        %parallel_loop3A_486 = arith.shrui %parallel_loop3A_484, %parallel_loop3A_485 : i32
        %parallel_loop3A_487 = arith.constant 63 : i32
        %parallel_loop3A_488 = arith.andi %parallel_loop3A_484, %parallel_loop3A_487 : i32
        %parallel_loop3A_489 = arith.constant 4 : i32
        %parallel_loop3A_490 = arith.shli %parallel_loop3A_488, %parallel_loop3A_489 : i32
        %parallel_loop3A_491 = tpu.assume_multiple %parallel_loop3A_490, 16 : i32
        %parallel_loop3A_492 = arith.index_cast %rem3A_389 : i32 to index
        %parallel_loop3A_493 = arith.index_cast %parallel_loop3A_486 : i32 to index
        %parallel_loop3A_494 = arith.index_cast %parallel_loop3A_491 : i32 to index
        %parallel_loop3A_495 = tpu.vector_load %arg7[%parallel_loop3A_492, %parallel_loop3A_493, %parallel_loop3A_494] {strides = array<i32>} : memref<3x8x1024xf32, #tpu.memory_space<vmem>>, vector<1x1x16xf32>,
        %parallel_loop3A_496 = vector.shape_cast %parallel_loop3A_495 : vector<1x1x16xf32> to vector<16xf32>
        %parallel_loop3A_497 = arith.constant 0 : i32
        %parallel_loop3A_498 = arith.index_cast %rem3A_387 : i32 to index
        %parallel_loop3A_499 = arith.index_cast %parallel_loop3A_497 : i32 to index
        %parallel_loop3A_500 = arith.index_cast %parallel_loop3A_486 : i32 to index
        %parallel_loop3A_501 = arith.index_cast %parallel_loop3A_491 : i32 to index
        %parallel_loop3A_502 = tpu.vector_load %arg8[%parallel_loop3A_498, %parallel_loop3A_499, %parallel_loop3A_500, %parallel_loop3A_501] {strides = array<i32>} : memref<6x2x8x1024xf32, #tpu.memory_space<vmem>>, vector<1x1x1x16xf32>,
        %parallel_loop3A_503 = vector.shape_cast %parallel_loop3A_502 : vector<1x1x1x16xf32> to vector<16xf32>
        %parallel_loop3A_504 = arith.constant 3.200000e+01 : f32
        %parallel_loop3A_505 = vector.broadcast %parallel_loop3A_504 : f32 to vector<16xf32>
        %parallel_loop3A_506 = arith.mulf %parallel_loop3A_503, %parallel_loop3A_505 : vector<16xf32>
        %parallel_loop3A_507 = arith.addf %parallel_loop3A_506, %parallel_loop3A_496 : vector<16xf32>
        %parallel_loop3A_508 = arith.constant 0 : i32
        %parallel_loop3A_509 = arith.index_cast %rem3A_387 : i32 to index
        %parallel_loop3A_510 = arith.index_cast %parallel_loop3A_508 : i32 to index
        %parallel_loop3A_511 = arith.index_cast %parallel_loop3A_486 : i32 to index
        %parallel_loop3A_512 = arith.index_cast %parallel_loop3A_491 : i32 to index
        %parallel_loop3A_513 = tpu.vector_load %arg8[%parallel_loop3A_509, %parallel_loop3A_510, %parallel_loop3A_511, %parallel_loop3A_512] {strides = array<i32>} : memref<6x2x8x1024xf32, #tpu.memory_space<vmem>>, vector<1x1x1x16xf32>,
        %parallel_loop3A_514 = vector.shape_cast %parallel_loop3A_513 : vector<1x1x1x16xf32> to vector<16xf32>
        %parallel_loop3A_515 = vector.shape_cast %parallel_loop3A_507 : vector<16xf32> to vector<1x1x1x16xf32>
        tpu.vector_store %arg8[%parallel_loop3A_509, %parallel_loop3A_510, %parallel_loop3A_511, %parallel_loop3A_512], %parallel_loop3A_515 {strides = array<i32>} : memref<6x2x8x1024xf32, #tpu.memory_space<vmem>>, vector<1x1x1x16xf32>,
        %parallel_loop3A_516 = arith.constant 1 : i32
        %parallel_loop3A_517 = arith.index_cast %rem3A_387 : i32 to index
        %parallel_loop3A_518 = arith.index_cast %parallel_loop3A_516 : i32 to index
        %parallel_loop3A_519 = arith.index_cast %parallel_loop3A_486 : i32 to index
        %parallel_loop3A_520 = arith.index_cast %parallel_loop3A_491 : i32 to index
        %parallel_loop3A_521 = tpu.vector_load %arg8[%parallel_loop3A_517, %parallel_loop3A_518, %parallel_loop3A_519, %parallel_loop3A_520] {strides = array<i32>} : memref<6x2x8x1024xf32, #tpu.memory_space<vmem>>, vector<1x1x1x16xf32>,
        %parallel_loop3A_522 = vector.shape_cast %parallel_loop3A_521 : vector<1x1x1x16xf32> to vector<16xf32>
        %parallel_loop3A_523 = arith.constant 3.200000e+01 : f32
        %parallel_loop3A_524 = vector.broadcast %parallel_loop3A_523 : f32 to vector<16xf32>
        %parallel_loop3A_525 = arith.mulf %parallel_loop3A_522, %parallel_loop3A_524 : vector<16xf32>
        %parallel_loop3A_526 = arith.addf %parallel_loop3A_525, %parallel_loop3A_496 : vector<16xf32>
        %parallel_loop3A_527 = arith.constant 1 : i32
        %parallel_loop3A_528 = arith.index_cast %rem3A_387 : i32 to index
        %parallel_loop3A_529 = arith.index_cast %parallel_loop3A_527 : i32 to index
        %parallel_loop3A_530 = arith.index_cast %parallel_loop3A_486 : i32 to index
        %parallel_loop3A_531 = arith.index_cast %parallel_loop3A_491 : i32 to index
        %parallel_loop3A_532 = tpu.vector_load %arg8[%parallel_loop3A_528, %parallel_loop3A_529, %parallel_loop3A_530, %parallel_loop3A_531] {strides = array<i32>} : memref<6x2x8x1024xf32, #tpu.memory_space<vmem>>, vector<1x1x1x16xf32>,
        %parallel_loop3A_533 = vector.shape_cast %parallel_loop3A_532 : vector<1x1x1x16xf32> to vector<16xf32>
        %parallel_loop3A_534 = vector.shape_cast %parallel_loop3A_526 : vector<16xf32> to vector<1x1x1x16xf32>
        tpu.vector_store %arg8[%parallel_loop3A_528, %parallel_loop3A_529, %parallel_loop3A_530, %parallel_loop3A_531], %parallel_loop3A_534 {strides = array<i32>} : memref<6x2x8x1024xf32, #tpu.memory_space<vmem>>, vector<1x1x1x16xf32>,
      } {sc.loop_unroll_factor = 16 : i64, sc.parallel_access}
      %mul3A_438 = arith.constant 2 : i32
      %mul3A_439 = arith.muli %mul3A_438, %and3A_385 : i32
      %add3A_440 = arith.constant 0 : i32
      %add3A_441 = arith.addi %mul3A_439, %add3A_440 : i32
      %mul3A_442 = arith.constant 8 : i32
      %mul3A_443 = arith.muli %shift_right_logical3A_383, %mul3A_442 : i32
      %multiple_of3A_444 = tpu.assume_multiple %mul3A_443, 8 : i32
      %add3A_445 = arith.addi %mul3A_2, %multiple_of3A_444 : i32
      %dma_start3A_446 = arith.constant 0 : i32
      %dma_start3A_447 = arith.constant 0 : i32
      %dma_start3A_448 = arith.constant 0 : i32
      %dma_start3A_449 = tpu.memref_slice %arg8[%rem3A_387, %dma_start3A_446, %dma_start3A_447, %dma_start3A_448] : memref<6x2x8x1024xf32, #tpu.memory_space<vmem>> -> memref<1x1x8x1024xf32, #tpu.memory_space<vmem>>
      %dma_start3A_450 = tpu.memref_squeeze %dma_start3A_449 : memref<1x1x8x1024xf32, #tpu.memory_space<vmem>> -> memref<8x1024xf32, #tpu.memory_space<vmem>>
      %dma_start3A_451 = arith.constant 0 : i32
      %dma_start3A_452 = tpu.memref_slice %arg5[%add3A_441, %add3A_445, %dma_start3A_451] : memref<4x2048x1024xf32, #tpu.memory_space<hbm>> -> memref<1x8x1024xf32, #tpu.memory_space<hbm>>
      %dma_start3A_453 = tpu.memref_squeeze %dma_start3A_452 : memref<1x8x1024xf32, #tpu.memory_space<hbm>> -> memref<8x1024xf32, #tpu.memory_space<hbm>>
      %dma_start3A_454 = arith.constant 0 : i32
      %dma_start3A_455 = tpu.memref_slice %arg5[%add3A_441, %add3A_445, %dma_start3A_454] : memref<4x2048x1024xf32, #tpu.memory_space<hbm>> -> memref<1x8x1024xf32, #tpu.memory_space<hbm>>
      %dma_start3A_456 = tpu.memref_squeeze %dma_start3A_455 : memref<1x8x1024xf32, #tpu.memory_space<hbm>> -> memref<8x1024xf32, #tpu.memory_space<hbm>>
      %dma_start3A_457 = arith.constant 0 : i32
      %dma_start3A_458 = arith.constant 0 : i32
      %dma_start3A_459 = tpu.memref_slice %arg8[%rem3A_387, %dma_start3A_446, %dma_start3A_457, %dma_start3A_458] : memref<6x2x8x1024xf32, #tpu.memory_space<vmem>> -> memref<1x1x8x1024xf32, #tpu.memory_space<vmem>>
      %dma_start3A_460 = tpu.memref_squeeze %dma_start3A_459 : memref<1x1x8x1024xf32, #tpu.memory_space<vmem>> -> memref<8x1024xf32, #tpu.memory_space<vmem>>
      tpu.enqueue_dma source(%dma_start3A_460 : memref<8x1024xf32, #tpu.memory_space<vmem>>) target(%dma_start3A_456 : memref<8x1024xf32, #tpu.memory_space<hbm>>) target_semaphore(%arg11 : memref<!tpu.dma_semaphore, #tpu.memory_space<semaphore_mem>>)
      %mul3A_461 = arith.constant 2 : i32
      %mul3A_462 = arith.muli %mul3A_461, %and3A_385 : i32
      %add3A_463 = arith.constant 1 : i32
      %add3A_464 = arith.addi %mul3A_462, %add3A_463 : i32
      %mul3A_465 = arith.constant 8 : i32
      %mul3A_466 = arith.muli %shift_right_logical3A_383, %mul3A_465 : i32
      %multiple_of3A_467 = tpu.assume_multiple %mul3A_466, 8 : i32
      %add3A_468 = arith.addi %mul3A_2, %multiple_of3A_467 : i32
      %dma_start3A_469 = arith.constant 1 : i32
      %dma_start3A_470 = arith.constant 0 : i32
      %dma_start3A_471 = arith.constant 0 : i32
      %dma_start3A_472 = tpu.memref_slice %arg8[%rem3A_387, %dma_start3A_469, %dma_start3A_470, %dma_start3A_471] : memref<6x2x8x1024xf32, #tpu.memory_space<vmem>> -> memref<1x1x8x1024xf32, #tpu.memory_space<vmem>>
      %dma_start3A_473 = tpu.memref_squeeze %dma_start3A_472 : memref<1x1x8x1024xf32, #tpu.memory_space<vmem>> -> memref<8x1024xf32, #tpu.memory_space<vmem>>
      %dma_start3A_474 = arith.constant 0 : i32
      %dma_start3A_475 = tpu.memref_slice %arg5[%add3A_464, %add3A_468, %dma_start3A_474] : memref<4x2048x1024xf32, #tpu.memory_space<hbm>> -> memref<1x8x1024xf32, #tpu.memory_space<hbm>>
      %dma_start3A_476 = tpu.memref_squeeze %dma_start3A_475 : memref<1x8x1024xf32, #tpu.memory_space<hbm>> -> memref<8x1024xf32, #tpu.memory_space<hbm>>
      %dma_start3A_477 = arith.constant 0 : i32
      %dma_start3A_478 = tpu.memref_slice %arg5[%add3A_464, %add3A_468, %dma_start3A_477] : memref<4x2048x1024xf32, #tpu.memory_space<hbm>> -> memref<1x8x1024xf32, #tpu.memory_space<hbm>>
      %dma_start3A_479 = tpu.memref_squeeze %dma_start3A_478 : memref<1x8x1024xf32, #tpu.memory_space<hbm>> -> memref<8x1024xf32, #tpu.memory_space<hbm>>
      %dma_start3A_480 = arith.constant 0 : i32
      %dma_start3A_481 = arith.constant 0 : i32
      %dma_start3A_482 = tpu.memref_slice %arg8[%rem3A_387, %dma_start3A_469, %dma_start3A_480, %dma_start3A_481] : memref<6x2x8x1024xf32, #tpu.memory_space<vmem>> -> memref<1x1x8x1024xf32, #tpu.memory_space<vmem>>
      %dma_start3A_483 = tpu.memref_squeeze %dma_start3A_482 : memref<1x1x8x1024xf32, #tpu.memory_space<vmem>> -> memref<8x1024xf32, #tpu.memory_space<vmem>>
      tpu.enqueue_dma source(%dma_start3A_483 : memref<8x1024xf32, #tpu.memory_space<vmem>>) target(%dma_start3A_479 : memref<8x1024xf32, #tpu.memory_space<hbm>>) target_semaphore(%arg11 : memref<!tpu.dma_semaphore, #tpu.memory_space<semaphore_mem>>)
    }
    %scan3A_266 = arith.constant 16 : i32
    %dma_wait3A_267 = arith.constant 0 : i32
    %dma_wait3A_268 = arith.constant 0 : i32
    %dma_wait3A_269 = arith.constant 0 : i32
    %dma_wait3A_270 = arith.constant 0 : i32
    %dma_wait3A_271 = arith.constant 0 : i32
    %dma_wait3A_272 = tpu.memref_slice %arg8[%dma_wait3A_267, %dma_wait3A_268, %dma_wait3A_270, %dma_wait3A_271] : memref<6x2x8x1024xf32, #tpu.memory_space<vmem>> -> memref<1x1x8x1024xf32, #tpu.memory_space<vmem>>
    %dma_wait3A_273 = tpu.memref_squeeze %dma_wait3A_272 : memref<1x1x8x1024xf32, #tpu.memory_space<vmem>> -> memref<8x1024xf32, #tpu.memory_space<vmem>>
    %dma_wait3A_274 = arith.constant 0 : i32
    %dma_wait3A_275 = arith.constant 0 : i32
    %dma_wait3A_276 = tpu.memref_slice %arg5[%dma_wait3A_269, %dma_wait3A_274, %dma_wait3A_275] : memref<4x2048x1024xf32, #tpu.memory_space<hbm>> -> memref<1x8x1024xf32, #tpu.memory_space<hbm>>
    %dma_wait3A_277 = tpu.memref_squeeze %dma_wait3A_276 : memref<1x8x1024xf32, #tpu.memory_space<hbm>> -> memref<8x1024xf32, #tpu.memory_space<hbm>>
    %dma_wait3A_278 = arith.constant 0 : i32
    %dma_wait3A_279 = arith.constant 0 : i32
    %dma_wait3A_280 = tpu.memref_slice %arg5[%dma_wait3A_269, %dma_wait3A_278, %dma_wait3A_279] : memref<4x2048x1024xf32, #tpu.memory_space<hbm>> -> memref<1x8x1024xf32, #tpu.memory_space<hbm>>
    %dma_wait3A_281 = tpu.memref_squeeze %dma_wait3A_280 : memref<1x8x1024xf32, #tpu.memory_space<hbm>> -> memref<8x1024xf32, #tpu.memory_space<hbm>>
    %dma_wait3A_282 = arith.constant 0 : i32
    %dma_wait3A_283 = arith.constant 0 : i32
    %dma_wait3A_284 = tpu.memref_slice %arg8[%dma_wait3A_267, %dma_wait3A_268, %dma_wait3A_282, %dma_wait3A_283] : memref<6x2x8x1024xf32, #tpu.memory_space<vmem>> -> memref<1x1x8x1024xf32, #tpu.memory_space<vmem>>
    %dma_wait3A_285 = tpu.memref_squeeze %dma_wait3A_284 : memref<1x1x8x1024xf32, #tpu.memory_space<vmem>> -> memref<8x1024xf32, #tpu.memory_space<vmem>>
    tpu.wait_dma2 semaphore(%arg11 : memref<!tpu.dma_semaphore, #tpu.memory_space<semaphore_mem>>) src(%dma_wait3A_285 : memref<8x1024xf32, #tpu.memory_space<vmem>>) dst(%dma_wait3A_281 : memref<8x1024xf32, #tpu.memory_space<hbm>>)
    %dma_wait3A_286 = arith.constant 0 : i32
    %dma_wait3A_287 = arith.constant 0 : i32
    %dma_wait3A_288 = arith.constant 0 : i32
    %dma_wait3A_289 = arith.constant 0 : i32
    %dma_wait3A_290 = arith.constant 0 : i32
    %dma_wait3A_291 = tpu.memref_slice %arg8[%dma_wait3A_286, %dma_wait3A_287, %dma_wait3A_289, %dma_wait3A_290] : memref<6x2x8x1024xf32, #tpu.memory_space<vmem>> -> memref<1x1x8x1024xf32, #tpu.memory_space<vmem>>
    %dma_wait3A_292 = tpu.memref_squeeze %dma_wait3A_291 : memref<1x1x8x1024xf32, #tpu.memory_space<vmem>> -> memref<8x1024xf32, #tpu.memory_space<vmem>>
    %dma_wait3A_293 = arith.constant 0 : i32
    %dma_wait3A_294 = arith.constant 0 : i32
    %dma_wait3A_295 = tpu.memref_slice %arg5[%dma_wait3A_288, %dma_wait3A_293, %dma_wait3A_294] : memref<4x2048x1024xf32, #tpu.memory_space<hbm>> -> memref<1x8x1024xf32, #tpu.memory_space<hbm>>
    %dma_wait3A_296 = tpu.memref_squeeze %dma_wait3A_295 : memref<1x8x1024xf32, #tpu.memory_space<hbm>> -> memref<8x1024xf32, #tpu.memory_space<hbm>>
    %dma_wait3A_297 = arith.constant 0 : i32
    %dma_wait3A_298 = arith.constant 0 : i32
    %dma_wait3A_299 = tpu.memref_slice %arg5[%dma_wait3A_288, %dma_wait3A_297, %dma_wait3A_298] : memref<4x2048x1024xf32, #tpu.memory_space<hbm>> -> memref<1x8x1024xf32, #tpu.memory_space<hbm>>
    %dma_wait3A_300 = tpu.memref_squeeze %dma_wait3A_299 : memref<1x8x1024xf32, #tpu.memory_space<hbm>> -> memref<8x1024xf32, #tpu.memory_space<hbm>>
    %dma_wait3A_301 = arith.constant 0 : i32
    %dma_wait3A_302 = arith.constant 0 : i32
    %dma_wait3A_303 = tpu.memref_slice %arg8[%dma_wait3A_286, %dma_wait3A_287, %dma_wait3A_301, %dma_wait3A_302] : memref<6x2x8x1024xf32, #tpu.memory_space<vmem>> -> memref<1x1x8x1024xf32, #tpu.memory_space<vmem>>
    %dma_wait3A_304 = tpu.memref_squeeze %dma_wait3A_303 : memref<1x1x8x1024xf32, #tpu.memory_space<vmem>> -> memref<8x1024xf32, #tpu.memory_space<vmem>>
    tpu.wait_dma2 semaphore(%arg11 : memref<!tpu.dma_semaphore, #tpu.memory_space<semaphore_mem>>) src(%dma_wait3A_304 : memref<8x1024xf32, #tpu.memory_space<vmem>>) dst(%dma_wait3A_300 : memref<8x1024xf32, #tpu.memory_space<hbm>>)
    %dma_wait3A_305 = arith.constant 0 : i32
    %dma_wait3A_306 = arith.constant 0 : i32
    %dma_wait3A_307 = arith.constant 0 : i32
    %dma_wait3A_308 = arith.constant 0 : i32
    %dma_wait3A_309 = arith.constant 0 : i32
    %dma_wait3A_310 = tpu.memref_slice %arg8[%dma_wait3A_305, %dma_wait3A_306, %dma_wait3A_308, %dma_wait3A_309] : memref<6x2x8x1024xf32, #tpu.memory_space<vmem>> -> memref<1x1x8x1024xf32, #tpu.memory_space<vmem>>
    %dma_wait3A_311 = tpu.memref_squeeze %dma_wait3A_310 : memref<1x1x8x1024xf32, #tpu.memory_space<vmem>> -> memref<8x1024xf32, #tpu.memory_space<vmem>>
    %dma_wait3A_312 = arith.constant 0 : i32
    %dma_wait3A_313 = arith.constant 0 : i32
    %dma_wait3A_314 = tpu.memref_slice %arg5[%dma_wait3A_307, %dma_wait3A_312, %dma_wait3A_313] : memref<4x2048x1024xf32, #tpu.memory_space<hbm>> -> memref<1x8x1024xf32, #tpu.memory_space<hbm>>
    %dma_wait3A_315 = tpu.memref_squeeze %dma_wait3A_314 : memref<1x8x1024xf32, #tpu.memory_space<hbm>> -> memref<8x1024xf32, #tpu.memory_space<hbm>>
    %dma_wait3A_316 = arith.constant 0 : i32
    %dma_wait3A_317 = arith.constant 0 : i32
    %dma_wait3A_318 = tpu.memref_slice %arg5[%dma_wait3A_307, %dma_wait3A_316, %dma_wait3A_317] : memref<4x2048x1024xf32, #tpu.memory_space<hbm>> -> memref<1x8x1024xf32, #tpu.memory_space<hbm>>
    %dma_wait3A_319 = tpu.memref_squeeze %dma_wait3A_318 : memref<1x8x1024xf32, #tpu.memory_space<hbm>> -> memref<8x1024xf32, #tpu.memory_space<hbm>>
    %dma_wait3A_320 = arith.constant 0 : i32
    %dma_wait3A_321 = arith.constant 0 : i32
    %dma_wait3A_322 = tpu.memref_slice %arg8[%dma_wait3A_305, %dma_wait3A_306, %dma_wait3A_320, %dma_wait3A_321] : memref<6x2x8x1024xf32, #tpu.memory_space<vmem>> -> memref<1x1x8x1024xf32, #tpu.memory_space<vmem>>
    %dma_wait3A_323 = tpu.memref_squeeze %dma_wait3A_322 : memref<1x1x8x1024xf32, #tpu.memory_space<vmem>> -> memref<8x1024xf32, #tpu.memory_space<vmem>>
    tpu.wait_dma2 semaphore(%arg11 : memref<!tpu.dma_semaphore, #tpu.memory_space<semaphore_mem>>) src(%dma_wait3A_323 : memref<8x1024xf32, #tpu.memory_space<vmem>>) dst(%dma_wait3A_319 : memref<8x1024xf32, #tpu.memory_space<hbm>>)
    %dma_wait3A_324 = arith.constant 0 : i32
    %dma_wait3A_325 = arith.constant 0 : i32
    %dma_wait3A_326 = arith.constant 0 : i32
    %dma_wait3A_327 = arith.constant 0 : i32
    %dma_wait3A_328 = arith.constant 0 : i32
    %dma_wait3A_329 = tpu.memref_slice %arg8[%dma_wait3A_324, %dma_wait3A_325, %dma_wait3A_327, %dma_wait3A_328] : memref<6x2x8x1024xf32, #tpu.memory_space<vmem>> -> memref<1x1x8x1024xf32, #tpu.memory_space<vmem>>
    %dma_wait3A_330 = tpu.memref_squeeze %dma_wait3A_329 : memref<1x1x8x1024xf32, #tpu.memory_space<vmem>> -> memref<8x1024xf32, #tpu.memory_space<vmem>>
    %dma_wait3A_331 = arith.constant 0 : i32
    %dma_wait3A_332 = arith.constant 0 : i32
    %dma_wait3A_333 = tpu.memref_slice %arg5[%dma_wait3A_326, %dma_wait3A_331, %dma_wait3A_332] : memref<4x2048x1024xf32, #tpu.memory_space<hbm>> -> memref<1x8x1024xf32, #tpu.memory_space<hbm>>
    %dma_wait3A_334 = tpu.memref_squeeze %dma_wait3A_333 : memref<1x8x1024xf32, #tpu.memory_space<hbm>> -> memref<8x1024xf32, #tpu.memory_space<hbm>>
    %dma_wait3A_335 = arith.constant 0 : i32
    %dma_wait3A_336 = arith.constant 0 : i32
    %dma_wait3A_337 = tpu.memref_slice %arg5[%dma_wait3A_326, %dma_wait3A_335, %dma_wait3A_336] : memref<4x2048x1024xf32, #tpu.memory_space<hbm>> -> memref<1x8x1024xf32, #tpu.memory_space<hbm>>
    %dma_wait3A_338 = tpu.memref_squeeze %dma_wait3A_337 : memref<1x8x1024xf32, #tpu.memory_space<hbm>> -> memref<8x1024xf32, #tpu.memory_space<hbm>>
    %dma_wait3A_339 = arith.constant 0 : i32
    %dma_wait3A_340 = arith.constant 0 : i32
    %dma_wait3A_341 = tpu.memref_slice %arg8[%dma_wait3A_324, %dma_wait3A_325, %dma_wait3A_339, %dma_wait3A_340] : memref<6x2x8x1024xf32, #tpu.memory_space<vmem>> -> memref<1x1x8x1024xf32, #tpu.memory_space<vmem>>
    %dma_wait3A_342 = tpu.memref_squeeze %dma_wait3A_341 : memref<1x1x8x1024xf32, #tpu.memory_space<vmem>> -> memref<8x1024xf32, #tpu.memory_space<vmem>>
    tpu.wait_dma2 semaphore(%arg11 : memref<!tpu.dma_semaphore, #tpu.memory_space<semaphore_mem>>) src(%dma_wait3A_342 : memref<8x1024xf32, #tpu.memory_space<vmem>>) dst(%dma_wait3A_338 : memref<8x1024xf32, #tpu.memory_space<hbm>>)
    %dma_wait3A_343 = arith.constant 0 : i32
    %dma_wait3A_344 = arith.constant 0 : i32
    %dma_wait3A_345 = arith.constant 0 : i32
    %dma_wait3A_346 = arith.constant 0 : i32
    %dma_wait3A_347 = arith.constant 0 : i32
    %dma_wait3A_348 = tpu.memref_slice %arg8[%dma_wait3A_343, %dma_wait3A_344, %dma_wait3A_346, %dma_wait3A_347] : memref<6x2x8x1024xf32, #tpu.memory_space<vmem>> -> memref<1x1x8x1024xf32, #tpu.memory_space<vmem>>
    %dma_wait3A_349 = tpu.memref_squeeze %dma_wait3A_348 : memref<1x1x8x1024xf32, #tpu.memory_space<vmem>> -> memref<8x1024xf32, #tpu.memory_space<vmem>>
    %dma_wait3A_350 = arith.constant 0 : i32
    %dma_wait3A_351 = arith.constant 0 : i32
    %dma_wait3A_352 = tpu.memref_slice %arg5[%dma_wait3A_345, %dma_wait3A_350, %dma_wait3A_351] : memref<4x2048x1024xf32, #tpu.memory_space<hbm>> -> memref<1x8x1024xf32, #tpu.memory_space<hbm>>
    %dma_wait3A_353 = tpu.memref_squeeze %dma_wait3A_352 : memref<1x8x1024xf32, #tpu.memory_space<hbm>> -> memref<8x1024xf32, #tpu.memory_space<hbm>>
    %dma_wait3A_354 = arith.constant 0 : i32
    %dma_wait3A_355 = arith.constant 0 : i32
    %dma_wait3A_356 = tpu.memref_slice %arg5[%dma_wait3A_345, %dma_wait3A_354, %dma_wait3A_355] : memref<4x2048x1024xf32, #tpu.memory_space<hbm>> -> memref<1x8x1024xf32, #tpu.memory_space<hbm>>
    %dma_wait3A_357 = tpu.memref_squeeze %dma_wait3A_356 : memref<1x8x1024xf32, #tpu.memory_space<hbm>> -> memref<8x1024xf32, #tpu.memory_space<hbm>>
    %dma_wait3A_358 = arith.constant 0 : i32
    %dma_wait3A_359 = arith.constant 0 : i32
    %dma_wait3A_360 = tpu.memref_slice %arg8[%dma_wait3A_343, %dma_wait3A_344, %dma_wait3A_358, %dma_wait3A_359] : memref<6x2x8x1024xf32, #tpu.memory_space<vmem>> -> memref<1x1x8x1024xf32, #tpu.memory_space<vmem>>
    %dma_wait3A_361 = tpu.memref_squeeze %dma_wait3A_360 : memref<1x1x8x1024xf32, #tpu.memory_space<vmem>> -> memref<8x1024xf32, #tpu.memory_space<vmem>>
    tpu.wait_dma2 semaphore(%arg11 : memref<!tpu.dma_semaphore, #tpu.memory_space<semaphore_mem>>) src(%dma_wait3A_361 : memref<8x1024xf32, #tpu.memory_space<vmem>>) dst(%dma_wait3A_357 : memref<8x1024xf32, #tpu.memory_space<hbm>>)
    %dma_wait3A_362 = arith.constant 0 : i32
    %dma_wait3A_363 = arith.constant 0 : i32
    %dma_wait3A_364 = arith.constant 0 : i32
    %dma_wait3A_365 = arith.constant 0 : i32
    %dma_wait3A_366 = arith.constant 0 : i32
    %dma_wait3A_367 = tpu.memref_slice %arg8[%dma_wait3A_362, %dma_wait3A_363, %dma_wait3A_365, %dma_wait3A_366] : memref<6x2x8x1024xf32, #tpu.memory_space<vmem>> -> memref<1x1x8x1024xf32, #tpu.memory_space<vmem>>
    %dma_wait3A_368 = tpu.memref_squeeze %dma_wait3A_367 : memref<1x1x8x1024xf32, #tpu.memory_space<vmem>> -> memref<8x1024xf32, #tpu.memory_space<vmem>>
    %dma_wait3A_369 = arith.constant 0 : i32
    %dma_wait3A_370 = arith.constant 0 : i32
    %dma_wait3A_371 = tpu.memref_slice %arg5[%dma_wait3A_364, %dma_wait3A_369, %dma_wait3A_370] : memref<4x2048x1024xf32, #tpu.memory_space<hbm>> -> memref<1x8x1024xf32, #tpu.memory_space<hbm>>
    %dma_wait3A_372 = tpu.memref_squeeze %dma_wait3A_371 : memref<1x8x1024xf32, #tpu.memory_space<hbm>> -> memref<8x1024xf32, #tpu.memory_space<hbm>>
    %dma_wait3A_373 = arith.constant 0 : i32
    %dma_wait3A_374 = arith.constant 0 : i32
    %dma_wait3A_375 = tpu.memref_slice %arg5[%dma_wait3A_364, %dma_wait3A_373, %dma_wait3A_374] : memref<4x2048x1024xf32, #tpu.memory_space<hbm>> -> memref<1x8x1024xf32, #tpu.memory_space<hbm>>
    %dma_wait3A_376 = tpu.memref_squeeze %dma_wait3A_375 : memref<1x8x1024xf32, #tpu.memory_space<hbm>> -> memref<8x1024xf32, #tpu.memory_space<hbm>>
    %dma_wait3A_377 = arith.constant 0 : i32
    %dma_wait3A_378 = arith.constant 0 : i32
    %dma_wait3A_379 = tpu.memref_slice %arg8[%dma_wait3A_362, %dma_wait3A_363, %dma_wait3A_377, %dma_wait3A_378] : memref<6x2x8x1024xf32, #tpu.memory_space<vmem>> -> memref<1x1x8x1024xf32, #tpu.memory_space<vmem>>
    %dma_wait3A_380 = tpu.memref_squeeze %dma_wait3A_379 : memref<1x1x8x1024xf32, #tpu.memory_space<vmem>> -> memref<8x1024xf32, #tpu.memory_space<vmem>>
    tpu.wait_dma2 semaphore(%arg11 : memref<!tpu.dma_semaphore, #tpu.memory_space<semaphore_mem>>) src(%dma_wait3A_380 : memref<8x1024xf32, #tpu.memory_space<vmem>>) dst(%dma_wait3A_376 : memref<8x1024xf32, #tpu.memory_space<hbm>>)
    return
  }
}

</mosaic_0001>

<sc_bundles>
// kernel: _embedding.3.cloned.1.call-start
scs
__scs_entry_jumppad:
0x0: {  	(pc) =	sbr.rel $0x88, $3  }
0x1: {  	(tag) =	ssettag $0x0;
	lr =	simm.s32 $0x1  }
0x2: {  	[smem:$0x3F9E] =	sst lr;
	_ =	strace $0xD0000000  }
0x3: {  	_ = 	snop  }
0x4: {  	_ = 	snop  }
0x5: {  	_ = 	snop  }
0x6: {  	_ = 	snop  }
0x7: {  	_ = 	snop  }
__scs_overlays_trampoline_lowered:
0x8: {  	[smem:$0x3FAD] =	sst s0  }
0x9: {  	[smem:$0x3FAE] =	sst s1  }
0xa: {  	[smem:$0x3FAF] =	sst s2  }
0xb: {  	[smem:$0x3FB0] =	sst s3  }
0xc: {  	[smem:$0x3FB1] =	sst s4  }
0xd: {  	[smem:$0x3FB2] =	sst s5  }
0xe: {  	[smem:$0x3FB3] =	sst s6  }
0xf: {  	[smem:$0x3FB4] =	sst s7  }
0x10: {  	[smem:$0x3FB5] =	sst s8  }
0x11: {  	[smem:$0x3FB6] =	sst s9;
	s0 =	simm.s32 @!p0 $0x0  }
0x12: {  	s1 =	sld [smem:$0x3F9C];
	s0 =	simm.s32 @p0 $0x1  }
0x13: {  	[smem:$0x3FB7] =	sst s0;
	s0 =	simm.s32 @!p1 $0x0  }
0x14: {  	s2 =	sld [smem:$0x3F9B];
	s0 =	simm.s32 @p1 $0x1  }
0x15: {  	[smem:$0x3FB8] =	sst s0;
	s0 =	simm.s32 @!p2 $0x0  }
0x16: {  	s3 =	sld [smem:$0x3FDB];
	s0 =	simm.s32 @p2 $0x1  }
0x17: {  	s4 =	simm.s32 $0x1BF5;
	[smem:$0x3FBA] =	sst s0  }
0x18: {  	s0 =	sld [smem:$0x3F9D];
	_ =	swait.ge [sflag:s4], $0x0  }
0x19: {  	s7 =	sld [smem:$0x3F9E]  }
0x1a: {  	s8 =	sadd.s32 $0xFFFFE003, lr  }
0x1b: {  	s9 =	sadd.s32 $0xFFFFFEF7, lr;
	s5 =	simm.s32 $0xFFFFFFFF;
	p2 =	slt.u32 s8, $0xFFFFF086  }
0x1c: {  	p1 =	slt.u32 s9, $0xF7A;
	s5 =	simm.s32 @!p2 $0x0  }
0x1d: {  	s5 =	simm.s32 @p1 $0x1;
	p0 =	seq.s32 s7, s2  }
0x1e: {  	s7 =	smul.u32 @!p0 $0xF7A, s2;
	p2 =	seq.s32 @!p0 s5, $0x0  }
0x1f: {  	s9 =	smul.u32 $0xF7A, s1;
	s8 =	simm.s32 @!p0 $0x1BF5;
	p2 =	por !p2, p0  }
0x20: {  	[sflag:s8] =	ssyncset.s32 @!p0 $0xFFFFF086;
	s6 =	sadd.s32 @!p0 s3, s7;
	s7 =	simm.s32 @!p0 $0x108  }
0x21: {  	s3 =	sadd.s32 s3, s9;
	s6 =	sadd.s32 @!p0 $0x88, s6;
	s7 =	simm.s32 @p2 $0x1082  }
0x22: {  	[simem:s7], [sflag:s8] =	dma.local @!p0 [hbm:s6], $0xF7A  }
0x23: {  	s9 =	sor.u32 $0xD0000000, s2;
	s6 =	simm.s32 $0x108;
	_ =	swait.ge @!p0 [sflag:s8], $0x0  }
0x24: {  	s3 =	sadd.s32 $0x88, s3;
	s6 =	simm.s32 @!p1 $0x1082;
	[sflag:s4] =	ssyncset.s32 $0xFFFFF086  }
0x25: {  	[simem:s6], [sflag:s4] =	dma.local [hbm:s3], $0xF7A  }
0x26: {  	[smem:$0x3F9E] =	sst s1;
	(tag) =	ssettag s2;
	_ =	strace s9  }
0x27: {  	s1 =	sld [smem:$0x3FAE]  }
0x28: {  	s2 =	sld [smem:$0x3FAF]  }
0x29: {  	s4 =	sld [smem:$0x3FB1]  }
0x2a: {  	p0 =	seq.s32 s5, $0x0;
	s5 =	sld [smem:$0x3FB2]  }
0x2b: {  	s6 =	sld [smem:$0x3FB3]  }
0x2c: {  	s7 =	sld [smem:$0x3FB4]  }
0x2d: {  	s3 =	simm.s32 $0x108;
	s8 =	sld [smem:$0x3FB5]  }
0x2e: {  	s3 =	simm.s32 @!p0 $0x1082;
	s9 =	sld [smem:$0x3FB6]  }
0x2f: {  	lr =	sadd.s32 s0, s3;
	s0 =	sld [smem:$0x3FAD]  }
0x30: {  	s3 =	sld [smem:$0x3FB0]  }
0x31: {  	[smem:$0x3FB9] =	sst s10  }
0x32: {  	s10 =	sld [smem:$0x3FB7];
	_ =	sdelay $0x3  }
0x33: {  	p0 =	seq.s32 s10, $0x1;
	s10 =	sld [smem:$0x3FB9];
	_ =	sdelay $0x3  }
0x34: {  	[smem:$0x3FB9] =	sst s10  }
0x35: {  	s10 =	sld [smem:$0x3FB8];
	_ =	sdelay $0x3  }
0x36: {  	p1 =	seq.s32 s10, $0x1;
	s10 =	sld [smem:$0x3FB9];
	_ =	sdelay $0x3  }
0x37: {  	[smem:$0x3FB9] =	sst s10  }
0x38: {  	s10 =	sld [smem:$0x3FBA]  }
0x39: {  	_ = 	snop;
	(pc) =	sbr.ind lr, $3  }
0x3a: {  	_ = 	snop  }
0x3b: {  	_ = 	snop  }
0x3c: {  	p2 =	seq.s32 s10, $0x1;
	s10 =	sld [smem:$0x3FB9]  }
0x3d: {  	_ =	shalt  }
0x3e: {  	_ =	shalt  }
0x3f: {  	_ =	shalt  }
0x40: {  	_ =	shalt  }
0x41: {  	_ =	shalt  }
0x42: {  	_ =	shalt  }
0x43: {  	_ =	shalt  }
0x44: {  	_ =	shalt  }
0x45: {  	_ =	shalt  }
0x46: {  	_ =	shalt  }
0x47: {  	_ =	shalt  }
0x48: {  	_ =	shalt  }
0x49: {  	_ =	shalt  }
0x4a: {  	_ =	shalt  }
0x4b: {  	_ =	shalt  }
0x4c: {  	_ =	shalt  }
0x4d: {  	_ =	shalt  }
0x4e: {  	_ =	shalt  }
0x4f: {  	_ =	shalt  }
0x50: {  	_ =	shalt  }
0x51: {  	_ =	shalt  }
0x52: {  	_ =	shalt  }
0x53: {  	_ =	shalt  }
0x54: {  	_ =	shalt  }
0x55: {  	_ =	shalt  }
0x56: {  	_ =	shalt  }
0x57: {  	_ =	shalt  }
0x58: {  	_ =	shalt  }
0x59: {  	_ =	shalt  }
0x5a: {  	_ =	shalt  }
0x5b: {  	_ =	shalt  }
0x5c: {  	_ =	shalt  }
0x5d: {  	_ =	shalt  }
0x5e: {  	_ =	shalt  }
0x5f: {  	_ =	shalt  }
0x60: {  	_ =	shalt  }
0x61: {  	_ =	shalt  }
0x62: {  	_ =	shalt  }
0x63: {  	_ =	shalt  }
0x64: {  	_ =	shalt  }
0x65: {  	_ =	shalt  }
0x66: {  	_ =	shalt  }
0x67: {  	_ =	shalt  }
0x68: {  	_ =	shalt  }
0x69: {  	_ =	shalt  }
0x6a: {  	_ =	shalt  }
0x6b: {  	_ =	shalt  }
0x6c: {  	_ =	shalt  }
0x6d: {  	_ =	shalt  }
0x6e: {  	_ =	shalt  }
0x6f: {  	_ =	shalt  }
0x70: {  	_ =	shalt  }
0x71: {  	_ =	shalt  }
0x72: {  	_ =	shalt  }
0x73: {  	_ =	shalt  }
0x74: {  	_ =	shalt  }
0x75: {  	_ =	shalt  }
0x76: {  	_ =	shalt  }
0x77: {  	_ =	shalt  }
0x78: {  	_ =	shalt  }
0x79: {  	_ =	shalt  }
0x7a: {  	_ =	shalt  }
0x7b: {  	_ =	shalt  }
0x7c: {  	_ =	shalt  }
0x7d: {  	_ =	shalt  }
0x7e: {  	_ =	shalt  }
0x7f: {  	_ =	shalt  }
0x80: {  	_ =	shalt  }
0x81: {  	_ =	shalt  }
0x82: {  	_ =	shalt  }
0x83: {  	_ =	shalt  }
0x84: {  	_ =	shalt  }
0x85: {  	_ =	shalt  }
0x86: {  	_ =	shalt  }
0x87: {  	_ =	shalt  }
.Lfunc_end0:
.L_simem_size_0:
called_computation_lowered:
.L_overlay_start_0:
0x88: {  	s2 =	sld [smem:$0x3FD9]  }
0x89: {  	s3 =	sld [smem:$0x3FFE];
	_ =	sdelay $0x1  }
0x8a: {  	s1 =	srdreg.scid  }
0x8b: {  	s0 =	sand.u32 $0x1, s1  }
0x8c: {  	s18 =	sshll.u32 s0, $0xA;
	s2 =	sadd.s32 s3, s2  }
0x8d: {  	s2 =	sadd.s32 s2, s18  }
0x8e: {  	[smem:$0x3FC5] =	sst s2  }
0x8f: {  	_ = 	snop  }
0x90: {  	s2 =	sld [smem:$0x3FC9]  }
0x91: {  	s19 =	sld [smem:$0x3FC8]  }
0x92: {  	s4 =	sld [smem:$0x3FC7]  }
0x93: {  	s5 =	sld [smem:$0x3FD0];
	(tm) =	ssettm $0x1  }
0x94: {  	s6 =	sld [smem:$0x3FFB];
	_ =	sdelay $0x3  }
0x95: {  	_ =	strace s6  }
0x96: {  	s6 =	sld [smem:$0x3FFC];
	_ =	sdelay $0x3  }
0x97: {  	_ =	strace s6  }
0x98: {  	s6 =	sld [smem:$0x3FFD];
	_ =	sdelay $0x3  }
0x99: {  	_ =	strace s6  }
0x9a: {  	_ =	strace $0x8FFFFFFF  }
0x9b: {  	s20 =	sld [smem:$0x3FDB];
	_ =	sdelay $0x1  }
0x9c: {  	s7 =	simm.s32 $_scs_section_size  }
0x9d: {  	s8 =	simm.s32 $_size__tile_overlayer_lowered;
	s9 =	simm.s32 $_tile_overlayer_lowered  }
0x9e: {  	s23 =	simm.s32 $0x1BFF;
	s22 =	sshll.u32 s9, $0x1;
	s6 =	sadd.s32 s7, s20  }
0x9f: {  	s10 =	simm.s32 $0x0;
	s21 =	sshll.u32 s8, $0x1;
	s8 =	sadd.s32 s22, s6  }
0xa0: {  	[timem:s10], [sflag:s23] =	dma.local [hbm:s8], s21  }
0xa1: {  	_ =	swait.ge [sflag:s23], s21  }
0xa2: {  	s7 =	ssub.s32 $0x0, s21;
	[sflag:s23] =	ssyncset.done $0x0  }
0xa3: {  	[sflag:s23] =	ssyncadd.s32 s7;
	_ =	sdelay $0x1  }
0xa4: {  	s24 =	simm.s32 $0x1B8B  }
0xa5: {  	_ =	swait.ge [sflag:s24], $0x1  }
0xa6: {  	[sflag:s24] =	ssyncset.done $0x0  }
0xa7: {  	s25 =	simm.s32 $0x1B8E;
	[sflag:s24] =	ssyncadd.s32 $0xFFFFFFFF  }
0xa8: {  	s26 =	simm.s32 $execute0_lowered;
	[smem:$0x3FD2] =	sst s25  }
0xa9: {  	s7 =	sshll.u32 s26, $0x1;
	_ =	strace $0x80000046;
	[dreg:$0x1] =	wrdreg $0xFFFFFFFF  }
0xaa: {  	s28 =	simm.s32 $_size_execute0_lowered;
	s6 =	sadd.s32 s6, s7;
	[dreg:$0x0] =	wrdreg $0x0  }
0xab: {  	s7 =	sshll.u32 s28, $0x1;
	[dreg:$0x2] =	wrdreg s6  }
0xac: {  	[dreg:$0x3] =	wrdreg s7  }
0xad: {  	[dreg:$0x4] =	wrdreg $0xC0  }
0xae: {  	_ =	task [dreg:s10], $0x5FFFF  }
0xaf: {  	[dreg:$0x1] =	wrdreg $0xFFFFFFFF  }
0xb0: {  	[dreg:$0x0] =	wrdreg $0x60  }
0xb1: {  	[dreg:$0x2] =	wrdreg s2  }
0xb2: {  	[dreg:$0x3] =	wrdreg s19  }
0xb3: {  	[dreg:$0x4] =	wrdreg s4  }
0xb4: {  	[dreg:$0x5] =	wrdreg s5  }
0xb5: {  	[dreg:$0x6] =	wrdreg $0x9  }
0xb6: {  	_ =	task.clear_ibuf [dreg:s10], $0x7FFFF;
	_ =	strace $0x90000046  }
0xb7: {  	s29 =	simm.s32 $0x9;
	_ =	strace $0x80000048  }
0xb8: {  	_ =	swait.ge [sflag:s29], $0x1  }
0xb9: {  	[sflag:s29] =	ssyncadd.s32 $0xFFFFFFFF  }
0xba: {  	_ =	strace $0x90000048  }
0xbb: {  	_ =	sfence  }
0xbc: {  	s30 =	sld [smem:$0x0];
	_ =	sdelay $0x2  }
0xbd: {  	s31 =	sshll.u32 s1, $0xD;
	s1 =	sshrl.u32 s1, $0x2  }
0xbe: {  	s3 =	sand.u32 $0x4000, s31;
	s1 =	sadd.s32 s1, s30  }
0xbf: {  	s0 =	sor.u32 s3, s0;
	s1 =	sshll.u32 s1, $0x11  }
0xc0: {  	s0 =	sor.u32 s1, s0  }
0xc1: {  	s0 =	sadd.s32 $0x8F2B, s0  }
0xc2: {  	[sflag:s0] =	ssyncadd.remote.s32 $0x1  }
0xc3: {  	_ =	sfence.sel $0xFFFF  }
0xc4: {  	[dreg:$0x0] =	wrdreg $0xFFFFFFFF;
	(pc) =	sbr.abs _section_cstart, $3  }
0xc5: {  	[dreg:$0x1] =	wrdreg $0xFFFFFFFF  }
0xc6: {  	_ =	task.clear_ibuf [dreg:s10], $0x2FFFF;
	_ =	strace $0x9FFFFFFF  }
0xc7: {  	(tm) =	ssettm $0x7FFFFFFF  }
tec
execute0_lowered:
.L_overlay_start_1:
0x0: {  	(tag) =	ssettag $0x1  }
0x1: {  	s0 =	rddreg [dreg:$0x0]  }
0x2: {  	s2 =	srdreg.scid;
	s1 =	rddreg [dreg:$0x1]  }
0x3: {  	s4 =	stileid.u32;
	s3 =	rddreg [dreg:$0x2]  }
0x4: {  	s20 =	simm.s32 $0x1;
	s17 =	simm.s32 $0x0;
	s2 =	sand.u32 $0x1, s2  }
0x5: {  	s5 =	sshll.u32 s4, $0x7;
	s4 =	rddreg [dreg:$0x3];
	s6 =	sshll.u32 s2, $0x6  }
0x6: {  	s12 =	sadd.s32 $0x100, s1;
	s13 =	sadd.s32 $0x200, s1;
	s7 =	sor.u32 s6, s5  }
0x7: {  	s2 =	ssub.s32 $0x2, s2;
	s5 =	simm.s32 $0x0;
	s8 =	sshll.u32 s7, $0x2  }
0x8: {  	s10 =	sshrl.u32 s2, $0x1;
	[smem:$0x7FF] =	sst s5;
	s9 =	sand.u32 $0x1E00, s8  }
0x9: {  	s2 =	ssub.s32 s2, s10;
	s29 =	sshll.u32 s7, $0x7;
	s9 =	sor.u32 s6, s9  }
0xa: {  	_ =	strace $0x80000047;
	s8 =	sor.u32 s6, s8;
	s9 =	sshrl.u32 s9, $0x3  }
0xb: {  	s31 =	smax.u32 s2, $0x1;
	s8 =	sshrl.u32 s8, $0x3;
	s6 =	sadd.s32 s0, s9  }
0xc: {  	[dreg:$0x9] =	wrdreg s31;
	s28 =	sor.u32 $0x20, s8;
	s9 =	sadd.s32 $0x10, s6  }
0xd: {  	s8 =	sor.u32 $0x30, s8;
	[dreg:$0x5] =	wrdreg s9;
	s9 =	sadd.s32 s0, s28  }
0xe: {  	v0 =	vlaneseq.u32;
	s0 =	sadd.s32 s0, s8;
	[dreg:$0x6] =	wrdreg s9;
	s9 =	sadd.s32 s3, s29  }
0xf: {  	s14 =	sadd.s32 $0x300, s1;
	v1 =	vshrl.u32 v0, $0x3;
	[dreg:$0x7] =	wrdreg s0;
	s30 =	sadd.s32 $0x400, s9  }
0x10: {  	vm0 =	vmmov $0xffff;
	v0 =	vand.u32 $0x7, v0;
	v1 =	vmul.u32 $0x8, v1;
	s15 =	sshrl.u32 s7, $0x3;
	s0 =	simm.s32 $0x3;
	[dreg:$0x8] =	wrdreg s30  }
.LBB2_1:
0x11: {  	[tilespmem:s5], [sflag:$0x1] =	stream.linear.gather [hbm4b:s6+s5], $0x40, $0x38;
	[tilespmem:$0x1E200] =	vst v63  }
0x12: {  	s2 =	rddreg [dreg:$0x5];
	s7 =	simm.s32 $0x80  }
0x13: {  	[tilespmem:s7], [sflag:$0x1] =	stream.linear.gather [hbm4b:s2+s5], $0x40, $0x38;
	[tilespmem:$0x1E200] =	vst v63  }
0x14: {  	s11 =	rddreg [dreg:$0x6];
	s16 =	simm.s32 $0x100  }
0x15: {  	[tilespmem:s16], [sflag:$0x1] =	stream.linear.gather [hbm4b:s11+s5], $0x40, $0x38;
	[tilespmem:$0x1E200] =	vst v63  }
0x16: {  	s18 =	rddreg [dreg:$0x7];
	s19 =	simm.s32 $0x180  }
0x17: {  	[tilespmem:s19], [sflag:$0x1] =	stream.linear.gather [hbm4b:s18+s5], $0x40, $0x38;
	[tilespmem:$0x1E200] =	vst v63  }
0x18: {  	_ =	swait.ge [sflag:s20], $0x40  }
0x19: {  	[sflag:s20] =	ssyncset.done $0x0  }
0x1a: {  	[sflag:s20] =	ssyncadd.s32 $0xFFFFFFC0  }
0x1b: {  	_ =	swait.ge [sflag:s20], $0x40  }
0x1c: {  	[sflag:s20] =	ssyncset.done $0x0  }
0x1d: {  	[sflag:s20] =	ssyncadd.s32 $0xFFFFFFC0  }
0x1e: {  	_ =	swait.ge [sflag:s20], $0x40  }
0x1f: {  	[sflag:s20] =	ssyncset.done $0x0  }
0x20: {  	[sflag:s20] =	ssyncadd.s32 $0xFFFFFFC0  }
0x21: {  	_ =	swait.ge [sflag:s20], $0x40  }
0x22: {  	[sflag:s20] =	ssyncset.done $0x0  }
0x23: {  	s21 =	simm.s32 $0x200;
	[sflag:s20] =	ssyncadd.s32 $0xFFFFFFC0  }
0x24: {  	[tilespmem:s21], [sflag:$0x2] =	stream.linear.gather [hbm4b:s9+s5], $0x2000, $0x38;
	[tilespmem:$0x1E200] =	vst v63  }
0x25: {  	s23 =	simm.s32 $0x2200;
	s22 =	rddreg [dreg:$0x8]  }
0x26: {  	[tilespmem:s23], [sflag:$0x2] =	stream.linear.gather [hbm4b:s22+s5], $0x2000, $0x38;
	[tilespmem:$0x1E200] =	vst v63  }
0x27: {  	v2 =	vld.msk [tilespmem:$0x0], $0xff;
	_ =	sdelay $0x4  }
0x28: {  	v3 =	vshll.u32 v2, $0x3  }
0x29: {  	v2 =	vand.u32 $0x7, v2;
	v3 =	vand.u32 $0xFFFFFFC0, v3  }
0x2a: {  	v2 =	vor.u32 v2, v3  }
0x2b: {  	v2 =	vperm.xlane v2, v0;
	_ =	sdelay $0x1  }
0x2c: {  	v2 =	vadd.s32 v1, v2;
	_ =	sdelay $0x3  }
0x2d: {  	s24 =	simm.s32 $0x6200  }
0x2e: {  	[tilespmem:s24], [sflag:$0x1] =	stream.indirect_vreg.gather [hbm4b:s1+s5], $0x80, v2, vm0, $0xb8;
	[tilespmem:$0x1E200] =	vst v63  }
0x2f: {  	s25 =	simm.s32 $0x6A00  }
0x30: {  	[tilespmem:s25], [sflag:$0x1] =	stream.indirect_vreg.gather [hbm4b:s12+s5], $0x80, v2, vm0, $0xb8;
	[tilespmem:$0x1E200] =	vst v63  }
0x31: {  	s26 =	simm.s32 $0x7200  }
0x32: {  	[tilespmem:s26], [sflag:$0x1] =	stream.indirect_vreg.gather [hbm4b:s13+s5], $0x80, v2, vm0, $0xb8;
	[tilespmem:$0x1E200] =	vst v63  }
0x33: {  	s28 =	simm.s32 $0x7A00  }
0x34: {  	[tilespmem:s28], [sflag:$0x1] =	stream.indirect_vreg.gather [hbm4b:s14+s5], $0x80, v2, vm0, $0xb8;
	[tilespmem:$0x1E200] =	vst v63  }
0x35: {  	v2 =	vld.msk [tilespmem:$0x80], $0xff;
	_ =	sdelay $0x4  }
0x36: {  	v3 =	vshll.u32 v2, $0x3  }
0x37: {  	v2 =	vand.u32 $0x7, v2;
	v3 =	vand.u32 $0xFFFFFFC0, v3  }
0x38: {  	v2 =	vor.u32 v2, v3  }
0x39: {  	v2 =	vperm.xlane v2, v0;
	_ =	sdelay $0x1  }
0x3a: {  	v2 =	vadd.s32 v1, v2;
	_ =	sdelay $0x3  }
0x3b: {  	s29 =	simm.s32 $0x8200  }
0x3c: {  	[tilespmem:s29], [sflag:$0x1] =	stream.indirect_vreg.gather [hbm4b:s1+s5], $0x80, v2, vm0, $0xb8;
	[tilespmem:$0x1E200] =	vst v63  }
0x3d: {  	s30 =	simm.s32 $0x8A00  }
0x3e: {  	[tilespmem:s30], [sflag:$0x1] =	stream.indirect_vreg.gather [hbm4b:s12+s5], $0x80, v2, vm0, $0xb8;
	[tilespmem:$0x1E200] =	vst v63  }
0x3f: {  	s31 =	simm.s32 $0x9200  }
0x40: {  	[tilespmem:s31], [sflag:$0x1] =	stream.indirect_vreg.gather [hbm4b:s13+s5], $0x80, v2, vm0, $0xb8;
	[tilespmem:$0x1E200] =	vst v63  }
0x41: {  	s7 =	simm.s32 $0x9A00  }
0x42: {  	[tilespmem:s7], [sflag:$0x1] =	stream.indirect_vreg.gather [hbm4b:s14+s5], $0x80, v2, vm0, $0xb8;
	[tilespmem:$0x1E200] =	vst v63  }
0x43: {  	v2 =	vld.msk [tilespmem:$0x100], $0xff;
	_ =	sdelay $0x4  }
0x44: {  	v3 =	vshll.u32 v2, $0x3  }
0x45: {  	v2 =	vand.u32 $0x7, v2;
	v3 =	vand.u32 $0xFFFFFFC0, v3  }
0x46: {  	v2 =	vor.u32 v2, v3  }
0x47: {  	v2 =	vperm.xlane v2, v0;
	_ =	sdelay $0x1  }
0x48: {  	v2 =	vadd.s32 v1, v2;
	_ =	sdelay $0x3  }
0x49: {  	s8 =	simm.s32 $0xA200  }
0x4a: {  	[tilespmem:s8], [sflag:$0x1] =	stream.indirect_vreg.gather [hbm4b:s1+s5], $0x80, v2, vm0, $0xb8;
	[tilespmem:$0x1E200] =	vst v63  }
0x4b: {  	s10 =	simm.s32 $0xAA00  }
0x4c: {  	[tilespmem:s10], [sflag:$0x1] =	stream.indirect_vreg.gather [hbm4b:s12+s5], $0x80, v2, vm0, $0xb8;
	[tilespmem:$0x1E200] =	vst v63  }
0x4d: {  	s11 =	simm.s32 $0xB200  }
0x4e: {  	[tilespmem:s11], [sflag:$0x1] =	stream.indirect_vreg.gather [hbm4b:s13+s5], $0x80, v2, vm0, $0xb8;
	[tilespmem:$0x1E200] =	vst v63  }
0x4f: {  	s16 =	simm.s32 $0xBA00  }
0x50: {  	[tilespmem:s16], [sflag:$0x1] =	stream.indirect_vreg.gather [hbm4b:s14+s5], $0x80, v2, vm0, $0xb8;
	[tilespmem:$0x1E200] =	vst v63  }
0x51: {  	v2 =	vld.msk [tilespmem:$0x180], $0xff;
	_ =	sdelay $0x4  }
0x52: {  	v3 =	vshll.u32 v2, $0x3  }
0x53: {  	v2 =	vand.u32 $0x7, v2;
	v3 =	vand.u32 $0xFFFFFFC0, v3  }
0x54: {  	v2 =	vor.u32 v2, v3  }
0x55: {  	v2 =	vperm.xlane v2, v0;
	_ =	sdelay $0x1  }
0x56: {  	v2 =	vadd.s32 v1, v2;
	_ =	sdelay $0x3  }
0x57: {  	s18 =	simm.s32 $0xC200  }
0x58: {  	[tilespmem:s18], [sflag:$0x1] =	stream.indirect_vreg.gather [hbm4b:s1+s5], $0x80, v2, vm0, $0xb8;
	[tilespmem:$0x1E200] =	vst v63  }
0x59: {  	s19 =	simm.s32 $0xCA00  }
0x5a: {  	[tilespmem:s19], [sflag:$0x1] =	stream.indirect_vreg.gather [hbm4b:s12+s5], $0x80, v2, vm0, $0xb8;
	[tilespmem:$0x1E200] =	vst v63  }
0x5b: {  	s21 =	simm.s32 $0xD200  }
0x5c: {  	[tilespmem:s21], [sflag:$0x1] =	stream.indirect_vreg.gather [hbm4b:s13+s5], $0x80, v2, vm0, $0xb8;
	[tilespmem:$0x1E200] =	vst v63  }
0x5d: {  	s22 =	simm.s32 $0xDA00  }
0x5e: {  	[tilespmem:s22], [sflag:$0x1] =	stream.indirect_vreg.gather [hbm4b:s14+s5], $0x80, v2, vm0, $0xb8;
	[tilespmem:$0x1E200] =	vst v63  }
0x5f: {  	v2 =	vld.msk [tilespmem:$0x8], $0xff;
	_ =	sdelay $0x4  }
0x60: {  	v3 =	vshll.u32 v2, $0x3  }
0x61: {  	v2 =	vand.u32 $0x7, v2;
	v3 =	vand.u32 $0xFFFFFFC0, v3  }
0x62: {  	v2 =	vor.u32 v2, v3  }
0x63: {  	v2 =	vperm.xlane v2, v0;
	_ =	sdelay $0x1  }
0x64: {  	v2 =	vadd.s32 v1, v2;
	_ =	sdelay $0x3  }
0x65: {  	s23 =	simm.s32 $0xE200  }
0x66: {  	[tilespmem:s23], [sflag:$0x1] =	stream.indirect_vreg.gather [hbm4b:s1+s5], $0x80, v2, vm0, $0xb8;
	[tilespmem:$0x1E200] =	vst v63  }
0x67: {  	s24 =	simm.s32 $0xEA00  }
0x68: {  	[tilespmem:s24], [sflag:$0x1] =	stream.indirect_vreg.gather [hbm4b:s12+s5], $0x80, v2, vm0, $0xb8;
	[tilespmem:$0x1E200] =	vst v63  }
0x69: {  	s25 =	simm.s32 $0xF200  }
0x6a: {  	[tilespmem:s25], [sflag:$0x1] =	stream.indirect_vreg.gather [hbm4b:s13+s5], $0x80, v2, vm0, $0xb8;
	[tilespmem:$0x1E200] =	vst v63  }
0x6b: {  	s26 =	simm.s32 $0xFA00  }
0x6c: {  	[tilespmem:s26], [sflag:$0x1] =	stream.indirect_vreg.gather [hbm4b:s14+s5], $0x80, v2, vm0, $0xb8;
	[tilespmem:$0x1E200] =	vst v63  }
0x6d: {  	v2 =	vld.msk [tilespmem:$0x88], $0xff;
	_ =	sdelay $0x4  }
0x6e: {  	v3 =	vshll.u32 v2, $0x3  }
0x6f: {  	v2 =	vand.u32 $0x7, v2;
	v3 =	vand.u32 $0xFFFFFFC0, v3  }
0x70: {  	v2 =	vor.u32 v2, v3  }
0x71: {  	v2 =	vperm.xlane v2, v0;
	_ =	sdelay $0x1  }
0x72: {  	v2 =	vadd.s32 v1, v2;
	_ =	sdelay $0x3  }
0x73: {  	s28 =	simm.s32 $0x10200  }
0x74: {  	[tilespmem:s28], [sflag:$0x1] =	stream.indirect_vreg.gather [hbm4b:s1+s5], $0x80, v2, vm0, $0xb8;
	[tilespmem:$0x1E200] =	vst v63  }
0x75: {  	s29 =	simm.s32 $0x10A00  }
0x76: {  	[tilespmem:s29], [sflag:$0x1] =	stream.indirect_vreg.gather [hbm4b:s12+s5], $0x80, v2, vm0, $0xb8;
	[tilespmem:$0x1E200] =	vst v63  }
0x77: {  	s30 =	simm.s32 $0x11200  }
0x78: {  	[tilespmem:s30], [sflag:$0x1] =	stream.indirect_vreg.gather [hbm4b:s13+s5], $0x80, v2, vm0, $0xb8;
	[tilespmem:$0x1E200] =	vst v63  }
0x79: {  	s31 =	simm.s32 $0x11A00;
	s18 =	simm.s32 $0x0  }
0x7a: {  	[tilespmem:s31], [sflag:$0x1] =	stream.indirect_vreg.gather [hbm4b:s14+s5], $0x80, v2, vm0, $0xb8;
	[tilespmem:$0x1E200] =	vst v63  }
.LBB2_2:
0x7b: {  	p0 =	slt.u32 s18, $0x3  }
0x7c: {  	s2 =	simm.s32 @!p0 $0x3  }
0x7d: {  	_ =	swait.ge @!p0 [sflag:s2], $0x2000  }
0x7e: {  	[sflag:s2] =	ssyncset.done @!p0 $0x0  }
0x7f: {  	[sflag:s2] =	ssyncadd.s32 @!p0 $0xFFFFE000  }
0x80: {  	p1 =	sgt.u32 @!p0 s18, $0xC;
	_ =	swait.ge @!p0 [sflag:s2], $0x2000  }
0x81: {  	p1 =	por p0, !p1;
	[sflag:s2] =	ssyncset.done @!p0 $0x0  }
0x82: {  	[sflag:s2] =	ssyncadd.s32 @!p0 $0xFFFFE000;
	s2 =	sadd.s32 @p1 $0x3, s18  }
0x83: {  	s7 =	sshll.u32 @p1 s2, $0x2;
	s8 =	sshll.u32 @p1 s2, $0x8  }
0x84: {  	s7 =	sand.u32 @p1 $0x78, s7;
	s8 =	sand.u32 @p1 $0x100, s8  }
0x85: {  	s7 =	sor.u32 @p1 s7, s8  }
0x86: {  	v2 =	vld.msk @p1 [tilespmem:s7+$0x0], $0xff;
	_ =	sdelay $0x4  }
0x87: {  	s8 =	smul.u32 @p1 $0xAB, s2;
	v3 =	vshll.u32 @p1 v2, $0x3  }
0x88: {  	v2 =	vand.u32 @p1 $0x7, v2;
	v3 =	vand.u32 @p1 $0xFFFFFFC0, v3  }
0x89: {  	s8 =	sshrl.u32 @p1 s8, $0xA;
	v2 =	vor.u32 @p1 v2, v3  }
0x8a: {  	s8 =	sand.u32 @p1 $0x3F, s8;
	v2 =	vperm.xlane @p1 v2, v0  }
0x8b: {  	s8 =	smul.u32 @p1 $0x6, s8  }
0x8c: {  	v2 =	vadd.s32 @p1 v1, v2  }
0x8d: {  	s2 =	ssub.s32 @p1 s2, s8  }
0x8e: {  	s2 =	sand.u32 @p1 $0xFF, s2  }
0x8f: {  	s2 =	sshll.u32 @p1 s2, $0xE  }
0x90: {  	s8 =	sadd.s32 @p1 $0x6200, s2  }
0x91: {  	[tilespmem:s8], [sflag:$0x1] =	stream.indirect_vreg.gather @p1 [hbm4b:s1+s5], $0x80, v2, vm0, $0xb8;
	[tilespmem:$0x1E200] =	vst v63  }
0x92: {  	s8 =	sadd.s32 @p1 $0x6A00, s2  }
0x93: {  	[tilespmem:s8], [sflag:$0x1] =	stream.indirect_vreg.gather @p1 [hbm4b:s12+s5], $0x80, v2, vm0, $0xb8;
	[tilespmem:$0x1E200] =	vst v63  }
0x94: {  	s8 =	sadd.s32 @p1 $0x7200, s2  }
0x95: {  	[tilespmem:s8], [sflag:$0x1] =	stream.indirect_vreg.gather @p1 [hbm4b:s13+s5], $0x80, v2, vm0, $0xb8;
	[tilespmem:$0x1E200] =	vst v63  }
0x96: {  	s7 =	sor.u32 @p1 $0x80, s7;
	s8 =	sadd.s32 @p1 $0x7A00, s2  }
0x97: {  	[tilespmem:s8], [sflag:$0x1] =	stream.indirect_vreg.gather @p1 [hbm4b:s14+s5], $0x80, v2, vm0, $0xb8;
	[tilespmem:$0x1E200] =	vst v63  }
0x98: {  	v2 =	vld.msk @p1 [tilespmem:s7+$0x0], $0xff;
	_ =	sdelay $0x4  }
0x99: {  	v3 =	vshll.u32 @p1 v2, $0x3  }
0x9a: {  	v2 =	vand.u32 @p1 $0x7, v2;
	v3 =	vand.u32 @p1 $0xFFFFFFC0, v3  }
0x9b: {  	v2 =	vor.u32 @p1 v2, v3  }
0x9c: {  	v2 =	vperm.xlane @p1 v2, v0;
	_ =	sdelay $0x1  }
0x9d: {  	v2 =	vadd.s32 @p1 v1, v2;
	_ =	sdelay $0x3  }
0x9e: {  	s7 =	sadd.s32 @p1 $0x8200, s2  }
0x9f: {  	[tilespmem:s7], [sflag:$0x1] =	stream.indirect_vreg.gather @p1 [hbm4b:s1+s5], $0x80, v2, vm0, $0xb8;
	[tilespmem:$0x1E200] =	vst v63  }
0xa0: {  	s7 =	sadd.s32 @p1 $0x8A00, s2  }
0xa1: {  	[tilespmem:s7], [sflag:$0x1] =	stream.indirect_vreg.gather @p1 [hbm4b:s12+s5], $0x80, v2, vm0, $0xb8;
	[tilespmem:$0x1E200] =	vst v63  }
0xa2: {  	s7 =	sadd.s32 @p1 $0x9200, s2  }
0xa3: {  	[tilespmem:s7], [sflag:$0x1] =	stream.indirect_vreg.gather @p1 [hbm4b:s13+s5], $0x80, v2, vm0, $0xb8;
	[tilespmem:$0x1E200] =	vst v63  }
0xa4: {  	s19 =	sand.u32 $0x1, s18;
	s2 =	sadd.s32 @p1 $0x9A00, s2  }
0xa5: {  	[tilespmem:s2], [sflag:$0x1] =	stream.indirect_vreg.gather @p1 [hbm4b:s14+s5], $0x80, v2, vm0, $0xb8;
	[tilespmem:$0x1E200] =	vst v63  }
0xa6: {  	p1 =	sne.s32 s19, $0x0  }
0xa7: {  	p0 =	sgt.u32 @!p1 s18, $0xB  }
0xa8: {  	s21 =	sshrl.u32 s18, $0x1;
	p0 =	por p0, p1  }
0xa9: {  	s10 =	smul.u32 $0xAB, s18;
	s7 =	sadd.s32 @!p0 $0x2, s21  }
0xaa: {  	s8 =	smul.u32 @!p0 $0xAB, s7  }
0xab: {  	s2 =	sshrl.u32 s10, $0xA;
	s10 =	smul.u32 $0xAB, s21  }
0xac: {  	s2 =	sand.u32 $0x3F, s2;
	s11 =	simm.s32 @!p1 $0x2;
	s8 =	sshrl.u32 @!p0 s8, $0x9  }
0xad: {  	s2 =	smul.u32 $0x6, s2;
	s10 =	sshrl.u32 s10, $0x9;
	s8 =	sand.u32 @!p0 $0x7F, s8  }
0xae: {  	_ =	swait.ge @!p1 [sflag:s11], $0x2000;
	s10 =	sand.u32 $0x7F, s10;
	s8 =	smul.u32 @!p0 $0x3, s8  }
0xaf: {  	[sflag:s11] =	ssyncset.done @!p1 $0x0;
	s10 =	smul.u32 $0x3, s10  }
0xb0: {  	s22 =	sadd.s32 @!p0 s15, s7;
	[sflag:s11] =	ssyncadd.s32 @!p1 $0xFFFFE000;
	s7 =	ssub.s32 @!p0 s7, s8  }
0xb1: {  	s11 =	simm.s32 @!p0 $0x0;
	s8 =	sshll.u32 @!p0 s22, $0xA;
	s7 =	sand.u32 @!p0 $0xFF, s7  }
0xb2: {  	s2 =	ssub.s32 s18, s2;
	s8 =	sand.u32 @!p0 $0x1FFFFC00, s8;
	s7 =	sshll.u32 @!p0 s7, $0xD  }
0xb3: {  	s2 =	sand.u32 $0xFF, s2;
	s8 =	sadd.s32 @!p0 s3, s8;
	s7 =	sor.u32 @!p0 $0x200, s7  }
0xb4: {  	[tilespmem:s7], [sflag:$0x2] =	stream.linear.gather @!p0 [hbm4b:s8+s11], $0x2000, $0x38;
	[tilespmem:$0x1E200] =	vst v63  }
0xb5: {  	s24 =	simm.s32 $0x0;
	s16 =	sshll.u32 s2, $0xE;
	_ =	swait.ge [sflag:s20], $0x2000  }
0xb6: {  	s2 =	sand.u32 $0x1800, s24;
	s11 =	ssub.s32 s21, s10;
	[sflag:s20] =	ssyncset.done $0x0  }
0xb7: {  	s22 =	sadd.s32 $0x6200, s16;
	s7 =	sand.u32 $0xFF, s11;
	[sflag:s20] =	ssyncadd.s32 $0xFFFFE000  }
0xb8: {  	s11 =	sor.u32 $0x400, s2;
	s26 =	sshll.u32 s7, $0xD;
	_ =	swait.ge [sflag:s20], $0x2000  }
0xb9: {  	s7 =	sand.u32 $0x380, s24;
	s23 =	sadd.s32 s11, s22;
	[sflag:s20] =	ssyncset.done $0x0  }
0xba: {  	s25 =	sor.u32 $0x200, s26;
	s8 =	sadd.s32 s7, s23;
	[sflag:s20] =	ssyncadd.s32 $0xFFFFE000  }
0xbb: {  	s31 =	sadd.s32 s11, s25;
	v2 =	vld [tilespmem:s8+$0x70]  }
0xbc: {  	s28 =	sadd.s32 s7, s31;
	v3 =	vld [tilespmem:s8+$0x0]  }
0xbd: {  	v4 =	vld [tilespmem:s28+$0x70]  }
0xbe: {  	v5 =	vld [tilespmem:s8+$0x10]  }
0xbf: {  	v6 =	vld [tilespmem:s8+$0x20]  }
0xc0: {  	v7 =	vld [tilespmem:s8+$0x30]  }
0xc1: {  	v13 =	vld [tilespmem:s8+$0x40]  }
0xc2: {  	s23 =	sadd.s32 $0x8200, s16;
	s16 =	sadd.s32 s2, s22;
	v14 =	vld [tilespmem:s8+$0x50]  }
0xc3: {  	s29 =	sadd.s32 s7, s16;
	v15 =	vld [tilespmem:s8+$0x60]  }
0xc4: {  	v16 =	vld [tilespmem:s29+$0x0]  }
0xc5: {  	v17 =	vld [tilespmem:s29+$0x10]  }
0xc6: {  	v18 =	vld [tilespmem:s29+$0x20]  }
0xc7: {  	v19 =	vld [tilespmem:s29+$0x30]  }
0xc8: {  	v20 =	vld [tilespmem:s29+$0x40];
	v2 =	vmul.f32 $3.200000000e+01, v2  }
0xc9: {  	v21 =	vld [tilespmem:s29+$0x50]  }
0xca: {  	v22 =	vld [tilespmem:s29+$0x60];
	v2 =	vadd.f32 v2, v4  }
0xcb: {  	s26 =	sadd.s32 s11, s23;
	v23 =	vld [tilespmem:s29+$0x70]  }
0xcc: {  	s26 =	sadd.s32 s7, s26;
	v24 =	vld [tilespmem:s28+$0x0];
	[tilespmem:s8+$0x70] =	vst v2  }
0xcd: {  	v2 =	vld [tilespmem:s26+$0x70]  }
0xce: {  	v25 =	vld [tilespmem:s28+$0x10]  }
0xcf: {  	v26 =	vld [tilespmem:s28+$0x20]  }
0xd0: {  	v27 =	vld [tilespmem:s28+$0x30]  }
0xd1: {  	v12 =	vld [tilespmem:s28+$0x40];
	v3 =	vmul.f32 $3.200000000e+01, v3  }
0xd2: {  	s31 =	sadd.s32 s2, s25;
	v11 =	vld [tilespmem:s28+$0x50];
	v5 =	vmul.f32 $3.200000000e+01, v5;
	v2 =	vmul.f32 $3.200000000e+01, v2  }
0xd3: {  	s10 =	sadd.s32 s7, s31;
	v10 =	vld [tilespmem:s28+$0x60];
	v3 =	vadd.f32 v3, v24  }
0xd4: {  	v9 =	vld [tilespmem:s10+$0x0];
	v5 =	vadd.f32 v5, v25;
	v2 =	vadd.f32 v2, v4;
	v4 =	vmul.f32 $3.200000000e+01, v6  }
0xd5: {  	v8 =	vld [tilespmem:s10+$0x10];
	[tilespmem:s8+$0x0] =	vst v3;
	v6 =	vmul.f32 $3.200000000e+01, v7  }
0xd6: {  	[tilespmem:s8+$0x10] =	vst v5;
	v3 =	vld [tilespmem:s10+$0x30];
	v7 =	vmul.f32 $3.200000000e+01, v13;
	v13 =	vmul.f32 $3.200000000e+01, v14;
	v4 =	vadd.f32 v4, v26  }
0xd7: {  	[tilespmem:s26+$0x70] =	vst v2;
	v2 =	vld [tilespmem:s10+$0x20];
	v5 =	vadd.f32 v6, v27  }
0xd8: {  	v14 =	vmul.f32 $3.200000000e+01, v15;
	v13 =	vadd.f32 v13, v11;
	v6 =	vld [tilespmem:s10+$0x50];
	[tilespmem:s8+$0x20] =	vst v4  }
0xd9: {  	v15 =	vmul.f32 $3.200000000e+01, v16;
	v7 =	vadd.f32 v7, v12;
	v4 =	vld [tilespmem:s10+$0x40];
	[tilespmem:s8+$0x30] =	vst v5  }
0xda: {  	v14 =	vadd.f32 v14, v10;
	v5 =	vld [tilespmem:s10+$0x60];
	[tilespmem:s8+$0x50] =	vst v13;
	v13 =	vmul.f32 $3.200000000e+01, v19  }
0xdb: {  	v16 =	vmul.f32 $3.200000000e+01, v17;
	v17 =	vmul.f32 $3.200000000e+01, v18;
	v15 =	vadd.f32 v15, v9;
	[tilespmem:s8+$0x40] =	vst v7;
	v7 =	vld [tilespmem:s10+$0x70]  }
0xdc: {  	[tilespmem:s8+$0x60] =	vst v14;
	v14 =	vld [tilespmem:s26+$0x0];
	v13 =	vadd.f32 v13, v3  }
0xdd: {  	v18 =	vmul.f32 $3.200000000e+01, v20;
	[tilespmem:s29+$0x0] =	vst v15;
	v19 =	vmul.f32 $3.200000000e+01, v21;
	v15 =	vadd.f32 v17, v2;
	v17 =	vld [tilespmem:s26+$0x10]  }
0xde: {  	v16 =	vadd.f32 v16, v8;
	v20 =	vld [tilespmem:s26+$0x20];
	[tilespmem:s29+$0x30] =	vst v13  }
0xdf: {  	v21 =	vmul.f32 $3.200000000e+01, v23;
	v13 =	vadd.f32 v19, v6;
	[tilespmem:s29+$0x20] =	vst v15;
	v15 =	vadd.f32 v18, v4;
	v18 =	vld [tilespmem:s26+$0x30]  }
0xe0: {  	[tilespmem:s29+$0x10] =	vst v16;
	v16 =	vmul.f32 $3.200000000e+01, v22;
	v19 =	vld [tilespmem:s26+$0x40]  }
0xe1: {  	s2 =	sadd.s32 s2, s23;
	v22 =	vld [tilespmem:s26+$0x50];
	v14 =	vmul.f32 $3.200000000e+01, v14;
	[tilespmem:s29+$0x50] =	vst v13;
	v13 =	vadd.f32 v21, v7  }
0xe2: {  	s28 =	sadd.s32 s7, s2;
	[tilespmem:s29+$0x40] =	vst v15;
	v15 =	vadd.f32 v16, v5;
	v16 =	vld [tilespmem:s26+$0x60];
	v21 =	vmul.f32 $3.200000000e+01, v17  }
0xe3: {  	v20 =	vmul.f32 $3.200000000e+01, v20;
	v23 =	vadd.f32 v14, v24;
	v17 =	vld [tilespmem:s28+$0x0];
	[tilespmem:s29+$0x70] =	vst v13  }
0xe4: {  	[tilespmem:s29+$0x60] =	vst v15;
	v15 =	vld [tilespmem:s28+$0x10];
	v63 =	vadd.f32 v21, v25;
	v18 =	vmul.f32 $3.200000000e+01, v18  }
0xe5: {  	v14 =	vld [tilespmem:s28+$0x20];
	v20 =	vadd.f32 v20, v26;
	[tilespmem:s26+$0x0] =	vst v23;
	v21 =	vmul.f32 $3.200000000e+01, v19  }
0xe6: {  	s30 =	simm.s32 $0x800;
	v13 =	vld [tilespmem:s28+$0x30];
	s29 =	simm.s32 $0x0;
	v19 =	vmul.f32 $3.200000000e+01, v22;
	[tilespmem:s26+$0x10] =	vst v63;
	v18 =	vadd.f32 v18, v27  }
.LBB2_3:
0xe7: {  	s8 =	sand.u32 $0x1800, s30;
	s29 =	sadd.s32 $0x10, s29;
	v22 =	vld [tilespmem:s28+$0x40];
	[tilespmem:s26+$0x20] =	vst v20;
	v12 =	vadd.f32 v21, v12;
	v16 =	vmul.f32 $3.200000000e+01, v16  }
0xe8: {  	s24 =	sadd.s32 $0x20, s24;
	s10 =	sor.u32 $0x400, s8;
	p0 =	slt.u32 s29, $0x1F0;
	v17 =	vmul.f32 $3.200000000e+01, v17;
	v20 =	vld [tilespmem:s28+$0x50];
	[tilespmem:s26+$0x30] =	vst v18;
	v11 =	vadd.f32 v19, v11  }
0xe9: {  	s11 =	sand.u32 $0x380, s24;
	s2 =	sadd.s32 s8, s22;
	s7 =	sadd.s32 s10, s22;
	v15 =	vmul.f32 $3.200000000e+01, v15;
	v18 =	vld [tilespmem:s28+$0x60];
	[tilespmem:s26+$0x40] =	vst v12;
	v10 =	vadd.f32 v16, v10  }
0xea: {  	s16 =	sadd.s32 s8, s25;
	s31 =	sadd.s32 s11, s2;
	s2 =	sadd.s32 s11, s7;
	v9 =	vadd.f32 v17, v9;
	v12 =	vmul.f32 $3.200000000e+01, v14;
	v14 =	vld [tilespmem:s28+$0x70];
	[tilespmem:s26+$0x50] =	vst v11  }
0xeb: {  	s8 =	sadd.s32 s8, s23;
	s7 =	sadd.s32 s11, s16;
	s16 =	sadd.s32 s10, s25;
	v11 =	vld [tilespmem:s2+$0x70];
	v8 =	vadd.f32 v15, v8;
	v13 =	vmul.f32 $3.200000000e+01, v13;
	[tilespmem:s26+$0x60] =	vst v10  }
0xec: {  	s26 =	sadd.s32 s11, s8;
	s8 =	sadd.s32 s11, s16;
	v10 =	vld [tilespmem:s2+$0x0];
	[tilespmem:s28+$0x0] =	vst v9;
	v2 =	vadd.f32 v12, v2;
	v9 =	vmul.f32 $3.200000000e+01, v22  }
0xed: {  	v12 =	vld [tilespmem:s8+$0x70];
	[tilespmem:s28+$0x10] =	vst v8;
	v3 =	vadd.f32 v13, v3;
	v8 =	vmul.f32 $3.200000000e+01, v20  }
0xee: {  	v13 =	vld [tilespmem:s2+$0x10];
	[tilespmem:s28+$0x20] =	vst v2;
	v2 =	vadd.f32 v9, v4;
	v4 =	vmul.f32 $3.200000000e+01, v18  }
0xef: {  	v9 =	vld [tilespmem:s2+$0x20];
	[tilespmem:s28+$0x30] =	vst v3;
	v3 =	vadd.f32 v8, v6;
	v6 =	vmul.f32 $3.200000000e+01, v14  }
0xf0: {  	v8 =	vld [tilespmem:s2+$0x30];
	v11 =	vmul.f32 $3.200000000e+01, v11;
	[tilespmem:s28+$0x40] =	vst v2;
	v2 =	vadd.f32 v4, v5  }
0xf1: {  	v4 =	vmul.f32 $3.200000000e+01, v10;
	v5 =	vld [tilespmem:s2+$0x40];
	[tilespmem:s28+$0x50] =	vst v3;
	v3 =	vadd.f32 v6, v7  }
0xf2: {  	v6 =	vld [tilespmem:s2+$0x50];
	v7 =	vadd.f32 v11, v12;
	[tilespmem:s28+$0x60] =	vst v2  }
0xf3: {  	s10 =	sadd.s32 s10, s23;
	v2 =	vmul.f32 $3.200000000e+01, v13;
	v10 =	vld [tilespmem:s2+$0x60];
	[tilespmem:s28+$0x70] =	vst v3;
	s28 =	smov.u32 s26  }
0xf4: {  	s26 =	sadd.s32 s11, s10;
	v3 =	vld [tilespmem:s31+$0x0];
	v13 =	vmul.f32 $3.200000000e+01, v9;
	[tilespmem:s2+$0x70] =	vst v7  }
0xf5: {  	v7 =	vmul.f32 $3.200000000e+01, v8;
	v8 =	vld [tilespmem:s26+$0x70]  }
0xf6: {  	v9 =	vld [tilespmem:s31+$0x10];
	v5 =	vmul.f32 $3.200000000e+01, v5  }
0xf7: {  	v11 =	vld [tilespmem:s31+$0x20];
	v6 =	vmul.f32 $3.200000000e+01, v6  }
0xf8: {  	v14 =	vld [tilespmem:s31+$0x30];
	v15 =	vmul.f32 $3.200000000e+01, v10  }
0xf9: {  	v16 =	vmul.f32 $3.200000000e+01, v3;
	v3 =	vld [tilespmem:s31+$0x40]  }
0xfa: {  	v10 =	vld [tilespmem:s31+$0x50];
	v8 =	vmul.f32 $3.200000000e+01, v8  }
0xfb: {  	v17 =	vmul.f32 $3.200000000e+01, v9;
	v9 =	vld [tilespmem:s31+$0x60]  }
0xfc: {  	v18 =	vmul.f32 $3.200000000e+01, v11;
	v11 =	vld [tilespmem:s31+$0x70];
	v8 =	vadd.f32 v8, v12  }
0xfd: {  	v14 =	vmul.f32 $3.200000000e+01, v14;
	v19 =	vld [tilespmem:s8+$0x0]  }
0xfe: {  	v20 =	vmul.f32 $3.200000000e+01, v3;
	v21 =	vld [tilespmem:s8+$0x10];
	[tilespmem:s26+$0x70] =	vst v8  }
0xff: {  	v22 =	vmul.f32 $3.200000000e+01, v10;
	v23 =	vld [tilespmem:s8+$0x20]  }
0x100: {  	v24 =	vmul.f32 $3.200000000e+01, v9;
	v25 =	vld [tilespmem:s8+$0x30]  }
0x101: {  	v26 =	vmul.f32 $3.200000000e+01, v11;
	v12 =	vld [tilespmem:s8+$0x40]  }
0x102: {  	v3 =	vadd.f32 v4, v19;
	v11 =	vld [tilespmem:s8+$0x50]  }
0x103: {  	v2 =	vadd.f32 v2, v21;
	v10 =	vld [tilespmem:s8+$0x60]  }
0x104: {  	v9 =	vld [tilespmem:s7+$0x0];
	[tilespmem:s2+$0x0] =	vst v3;
	v3 =	vadd.f32 v13, v23  }
0x105: {  	v8 =	vld [tilespmem:s7+$0x10];
	[tilespmem:s2+$0x10] =	vst v2;
	v4 =	vadd.f32 v7, v25  }
0x106: {  	v2 =	vld [tilespmem:s7+$0x20];
	[tilespmem:s2+$0x20] =	vst v3;
	v5 =	vadd.f32 v5, v12  }
0x107: {  	v3 =	vld [tilespmem:s7+$0x30];
	[tilespmem:s2+$0x30] =	vst v4;
	v7 =	vadd.f32 v6, v11  }
0x108: {  	v4 =	vld [tilespmem:s7+$0x40];
	[tilespmem:s2+$0x40] =	vst v5;
	v13 =	vadd.f32 v15, v10  }
0x109: {  	v15 =	vadd.f32 v16, v9;
	v6 =	vld [tilespmem:s7+$0x50];
	[tilespmem:s2+$0x50] =	vst v7  }
0x10a: {  	v16 =	vadd.f32 v17, v8;
	v5 =	vld [tilespmem:s7+$0x60];
	[tilespmem:s2+$0x60] =	vst v13  }
0x10b: {  	[tilespmem:s31+$0x0] =	vst v15;
	v13 =	vadd.f32 v18, v2;
	v7 =	vld [tilespmem:s7+$0x70]  }
0x10c: {  	[tilespmem:s31+$0x10] =	vst v16;
	v14 =	vadd.f32 v14, v3;
	v15 =	vld [tilespmem:s26+$0x0]  }
0x10d: {  	[tilespmem:s31+$0x20] =	vst v13;
	v13 =	vadd.f32 v20, v4;
	v16 =	vld [tilespmem:s26+$0x10]  }
0x10e: {  	[tilespmem:s31+$0x30] =	vst v14;
	v14 =	vadd.f32 v22, v6;
	v18 =	vld [tilespmem:s26+$0x20]  }
0x10f: {  	[tilespmem:s31+$0x40] =	vst v13;
	v13 =	vadd.f32 v24, v5;
	v20 =	vld [tilespmem:s26+$0x30]  }
0x110: {  	[tilespmem:s31+$0x50] =	vst v14;
	v14 =	vadd.f32 v26, v7;
	v22 =	vld [tilespmem:s26+$0x40]  }
0x111: {  	[tilespmem:s31+$0x60] =	vst v13;
	v13 =	vmul.f32 $3.200000000e+01, v15;
	v24 =	vld [tilespmem:s26+$0x50]  }
.Ltmp0:
0x112: {  	[tilespmem:s31+$0x70] =	vst v14;
	v14 =	vmul.f32 $3.200000000e+01, v16;
	v16 =	vld [tilespmem:s26+$0x60];
	(pc) =	sbr.rel @p0 .LBB2_3-.Ltmp0, $4  }
0x113: {  	v17 =	vld [tilespmem:s28+$0x0];
	v13 =	vadd.f32 v13, v19;
	v18 =	vmul.f32 $3.200000000e+01, v18  }
0x114: {  	v15 =	vld [tilespmem:s28+$0x10];
	v19 =	vadd.f32 v14, v21;
	v26 =	vmul.f32 $3.200000000e+01, v20  }
0x115: {  	v14 =	vld [tilespmem:s28+$0x20];
	[tilespmem:s26+$0x0] =	vst v13;
	v20 =	vadd.f32 v18, v23;
	v21 =	vmul.f32 $3.200000000e+01, v22  }
0x116: {  	s30 =	sadd.s32 $0x800, s30;
	v13 =	vld [tilespmem:s28+$0x30];
	[tilespmem:s26+$0x10] =	vst v19;
	v18 =	vadd.f32 v26, v25;
	v19 =	vmul.f32 $3.200000000e+01, v24  }
0x117: {  	v22 =	vld [tilespmem:s28+$0x40];
	[tilespmem:s26+$0x20] =	vst v20;
	v12 =	vadd.f32 v21, v12;
	v16 =	vmul.f32 $3.200000000e+01, v16  }
0x118: {  	v55 =	vld [tilespmem:s28+$0x50];
	v17 =	vmul.f32 $3.200000000e+01, v17;
	[tilespmem:s26+$0x30] =	vst v18;
	v11 =	vadd.f32 v19, v11  }
0x119: {  	v56 =	vld [tilespmem:s28+$0x60];
	v15 =	vmul.f32 $3.200000000e+01, v15;
	[tilespmem:s26+$0x40] =	vst v12;
	v10 =	vadd.f32 v16, v10  }
0x11a: {  	v58 =	vld [tilespmem:s28+$0x70];
	v9 =	vadd.f32 v17, v9;
	v57 =	vmul.f32 $3.200000000e+01, v14;
	[tilespmem:s26+$0x50] =	vst v11  }
0x11b: {  	v8 =	vadd.f32 v15, v8;
	v59 =	vmul.f32 $3.200000000e+01, v13;
	[tilespmem:s26+$0x60] =	vst v10  }
0x11c: {  	[tilespmem:s28+$0x0] =	vst v9;
	v2 =	vadd.f32 v57, v2;
	v60 =	vmul.f32 $3.200000000e+01, v22  }
0x11d: {  	v61 =	vmul.f32 $3.200000000e+01, v55;
	[tilespmem:s28+$0x10] =	vst v8;
	v3 =	vadd.f32 v59, v3  }
0x11e: {  	v62 =	vmul.f32 $3.200000000e+01, v56;
	[tilespmem:s28+$0x20] =	vst v2;
	v2 =	vadd.f32 v60, v4  }
0x11f: {  	v63 =	vmul.f32 $3.200000000e+01, v58;
	[tilespmem:s28+$0x30] =	vst v3;
	v3 =	vadd.f32 v61, v6  }
0x120: {  	s2 =	sadd.s32 s15, s21;
	s18 =	sadd.s32 $0x1, s18;
	[tilespmem:s28+$0x40] =	vst v2;
	v2 =	vadd.f32 v62, v5  }
0x121: {  	s7 =	sshll.u32 s19, $0x13;
	s2 =	sshll.u32 s2, $0xA;
	p0 =	sne.s32 s18, $0x10;
	[tilespmem:s28+$0x50] =	vst v3;
	v3 =	vadd.f32 v63, v7  }
.Ltmp1:
0x122: {  	s2 =	sadd.s32 s7, s2;
	[tilespmem:s28+$0x60] =	vst v2;
	(pc) =	sbr.rel @p0 .LBB2_2-.Ltmp1, $4  }
0x123: {  	s7 =	sadd.s32 s4, s2;
	s2 =	sor.u32 $0x40000, s2;
	[tilespmem:s28+$0x70] =	vst v3  }
0x124: {  	[hbm4b:s7+s5] =	stream.linear.scatter [tilespmem:s22], [sflag:$0x3], $0x2000, $0x38;
	[tilespmem:$0x1E200] =	vst v63  }
0x125: {  	s2 =	sadd.s32 s4, s2  }
0x126: {  	[hbm4b:s2+s5] =	stream.linear.scatter [tilespmem:s23], [sflag:$0x3], $0x2000, $0x38;
	[tilespmem:$0x1E200] =	vst v63  }
0x127: {  	_ =	swait.ge [sflag:s0], $0x2000  }
0x128: {  	[sflag:s0] =	ssyncset.done $0x0  }
0x129: {  	[sflag:s0] =	ssyncadd.s32 $0xFFFFE000  }
0x12a: {  	_ =	swait.ge [sflag:s0], $0x2000  }
0x12b: {  	[sflag:s0] =	ssyncset.done $0x0  }
0x12c: {  	[sflag:s0] =	ssyncadd.s32 $0xFFFFE000  }
0x12d: {  	_ =	swait.ge [sflag:s0], $0x2000  }
0x12e: {  	[sflag:s0] =	ssyncset.done $0x0  }
0x12f: {  	[sflag:s0] =	ssyncadd.s32 $0xFFFFE000  }
0x130: {  	_ =	swait.ge [sflag:s0], $0x2000  }
0x131: {  	[sflag:s0] =	ssyncset.done $0x0  }
0x132: {  	[sflag:s0] =	ssyncadd.s32 $0xFFFFE000  }
0x133: {  	_ =	swait.ge [sflag:s0], $0x2000  }
0x134: {  	[sflag:s0] =	ssyncset.done $0x0  }
0x135: {  	[sflag:s0] =	ssyncadd.s32 $0xFFFFE000  }
0x136: {  	_ =	swait.ge [sflag:s0], $0x2000  }
0x137: {  	s17 =	sadd.s32 $0x1, s17;
	s2 =	rddreg [dreg:$0x9]  }
0x138: {  	p0 =	sne.s32 s17, s2  }
.Ltmp2:
0x139: {  	_ = 	snop;
	(pc) =	sbr.rel @p0 .LBB2_1-.Ltmp2, $3  }
0x13a: {  	_ =	sdelay $0x1  }
0x13b: {  	[sflag:s0] =	ssyncset.done $0x0  }
0x13c: {  	[sflag:s0] =	ssyncadd.s32 $0xFFFFE000  }
0x13d: {  	_ =	sfence.sel $0x180000  }
0x13e: {  	[bflag:$0x0] =	sbarrier.arrive $0xFFFF  }
0x13f: {  	_ =	strace $0x90000047  }
0x140: {  	s0 =	stileid.u32;
	[bflag:$0x2] =	sbarrier.arrive $0xFFFF  }
0x141: {  	p0 =	sne.s32 s0, $0x0;
	s0 =	rddreg [dreg:$0x4]  }
0x142: {  	s0 =	sadd.s32 @!p0 $0x100000, s0  }
0x143: {  	[sflag:s0] =	ssyncadd.tile.s32 @!p0 $0x1;
	_ =	shalt  }
.Lfunc_end2:
_tile_overlayer_lowered:
.L_overlay_start_2:
0x144: {  	(tag) =	ssettag $0x2  }
0x145: {  	s0 =	rddreg [dreg:$0x0];
	s2 =	stileid.u32  }
0x146: {  	s1 =	rddreg [dreg:$0x1];
	p0 =	sne.s32 s2, $0x0  }
0x147: {  	s3 =	rddreg [dreg:$0x2];
	[bflag:$0x3] =	sbarrier.arrive $0xFFFF;
	s2 =	simm.s32 @!p0 $0x1C04  }
0x148: {  	[timem:s3], [sflag:s2] =	dma.local @!p0 [hbm:s0], s1  }
0x149: {  	s0 =	simm.s32 @!p0 $0x4  }
0x14a: {  	_ =	swait.ge @!p0 [sflag:s0], s1  }
0x14b: {  	s1 =	ssub.s32 @!p0 $0x0, s1;
	[sflag:s0] =	ssyncset.done @!p0 $0x0  }
0x14c: {  	[sflag:s0] =	ssyncadd.s32 @!p0 s1  }
0x14d: {  	[bflag:$0x3] =	sbarrier.arrive $0xFFFF  }
0x14e: {  	_ =	shalt  }

</sc_bundles>
